<compile_context>
chip_gen: v7x
topology: tpu7x:2x2x1
jax: 0.10.2.dev20260603
libtpu: 0.0.44.dev20260713+nightly
codegen_flags: <defaults>
</compile_context>

<pallas_src>
import functools

import jax
import jax.numpy as jnp
from jax import lax
from jax.experimental import pallas as pl
from jax.experimental.pallas import tpu as pltpu
from jax.experimental.pallas import tpu_sc as plsc

L = 224
N = 2 * L * L
M = L * L
NF = 8
K = 9
TOTAL = 2 * M * K
TBLK = 3584
TGRID = N // TBLK
NPAD = N + TBLK
SENT = N

NW = 32
TILE_TAPS = TOTAL // NW
CHUNK = 4704
NITER = TILE_TAPS // CHUNK

MCOLS = TOTAL // NF
MBLK = 5376
MGRID = MCOLS // MBLK

BM = 3584
MMGRID = 2 * M // BM
HBLK = M // BM

ACT_SCALE = (2.0 + 2.0 * float(jnp.e)) / (float(jnp.e) - 1.0)


def _transpose_body(x_ref, o_ref):
    i = pl.program_id(0)
    v = x_ref[...]
    o_ref[...] = jnp.where(i < TGRID, v.T, 0.0)


def _build_table(x2):
    return pl.pallas_call(
        _transpose_body,
        grid=(TGRID + 1,),
        in_specs=[pl.BlockSpec((NF, TBLK), lambda i: (0, jnp.minimum(i, TGRID - 1)))],
        out_specs=pl.BlockSpec((TBLK, NF), lambda i: (i, 0)),
        out_shape=jax.ShapeDtypeStruct((NPAD, NF), jnp.float32),
    )(x2)


def _mask_body(i_ref, m_ref, o_ref):
    o_ref[...] = jnp.where(m_ref[...] != 0.0, i_ref[...],
                           jnp.int32(SENT))


def _mask_indices(idx2, mask2):
    return pl.pallas_call(
        _mask_body,
        grid=(MGRID,),
        in_specs=[
            pl.BlockSpec((NF, MBLK), lambda i: (0, i)),
            pl.BlockSpec((NF, MBLK), lambda i: (0, i)),
        ],
        out_specs=pl.BlockSpec((NF, MBLK), lambda i: (0, i)),
        out_shape=jax.ShapeDtypeStruct((NF, MCOLS), jnp.int32),
    )(idx2, mask2)


_SC_MESH = plsc.VectorSubcoreMesh(core_axis_name="c", subcore_axis_name="s")


@functools.partial(
    pl.kernel,
    out_type=jax.ShapeDtypeStruct((TOTAL, NF), jnp.float32),
    mesh=_SC_MESH,
    compiler_params=pltpu.CompilerParams(use_tc_tiling_on_sc=False),
    scratch_types=[
        pltpu.VMEM((2, CHUNK), jnp.int32),
        pltpu.VMEM((2, CHUNK, NF), jnp.float32),
        pltpu.SemaphoreType.DMA,
        pltpu.SemaphoreType.DMA,
        pltpu.SemaphoreType.DMA,
        pltpu.SemaphoreType.DMA,
        pltpu.SemaphoreType.DMA,
        pltpu.SemaphoreType.DMA,
    ],
)
def _sc_gather(idxe_hbm, tab_hbm, out_hbm, idxe_v, rows_v,
               sin0, sin1, sg0, sg1, so0, so1):
    wid = lax.axis_index("s") * 2 + lax.axis_index("c")
    base = wid * TILE_TAPS
    sin = (sin0, sin1)
    sg = (sg0, sg1)
    so = (so0, so1)
    cps = {}

    def start_in(it):
        b = it & 1
        cps[("in", it)] = pltpu.async_copy(
            idxe_hbm.at[pl.ds(base + it * CHUNK, CHUNK)], idxe_v.at[b], sin[b])

    def fire_gather(it):
        b = it & 1
        cps[("g", it)] = pltpu.async_copy(
            tab_hbm.at[idxe_v.at[b]], rows_v.at[b], sg[b])

    def fire_out(it):
        b = it & 1
        cps[("o", it)] = pltpu.async_copy(
            rows_v.at[b], out_hbm.at[pl.ds(base + it * CHUNK, CHUNK)], so[b])

    start_in(0)
    start_in(1)
    cps[("in", 0)].wait()
    fire_gather(0)
    for it in range(NITER):
        if it + 1 < NITER:
            cps[("in", it + 1)].wait()
            if it - 1 >= 0:
                cps[("o", it - 1)].wait()
            fire_gather(it + 1)
        cps[("g", it)].wait()
        if it + 2 < NITER:
            start_in(it + 2)
        fire_out(it)
    cps[("o", NITER - 2)].wait()
    cps[("o", NITER - 1)].wait()


def _mm_body(g_ref, wt_ref, b_ref, o_ref):
    g = g_ref[...]
    wt = wt_ref[0]
    b = b_ref[0]
    acc = lax.dot_general(wt, g, (((1,), (1,)), ((), ())),
                          preferred_element_type=jnp.float32)
    v = acc + b
    o_ref[...] = (jax.nn.sigmoid(v) - 0.5) * ACT_SCALE


def _mm_act(g2, wt2, b2):
    return pl.pallas_call(
        _mm_body,
        grid=(MMGRID,),
        in_specs=[
            pl.BlockSpec((BM, K * NF), lambda i: (i, 0)),
            pl.BlockSpec((1, NF, K * NF), lambda i: (i // HBLK, 0, 0)),
            pl.BlockSpec((1, NF, 1), lambda i: (i // HBLK, 0, 0)),
        ],
        out_specs=pl.BlockSpec((NF, BM), lambda i: (0, i)),
        out_shape=jax.ShapeDtypeStruct((NF, 2 * M), jnp.float32),
    )(g2, wt2, b2)


def kernel(x, Wconv_hor, Wconv_vert, bconv_hor, bconv_vert, mask_hor, mask_vert,
           kernel_shifts_hor, kernel_shifts_vert, hor_edge_lst, vert_edge_lst):
    x2 = x.reshape(NF, N)
    xt = _build_table(x2)

    idx_all = jnp.concatenate(
        [kernel_shifts_hor.reshape(-1), kernel_shifts_vert.reshape(-1)])
    mask_all = jnp.concatenate([mask_hor.reshape(-1), mask_vert.reshape(-1)])
    idxe = _mask_indices(idx_all.reshape(NF, MCOLS),
                         mask_all.reshape(NF, MCOLS)).reshape(-1)

    g = _sc_gather(idxe, xt)
    g2 = g.reshape(2 * M, K * NF)

    wt2 = jnp.stack([
        Wconv_hor.transpose(2, 1, 0).reshape(K * NF, NF).T,
        Wconv_vert.transpose(2, 1, 0).reshape(K * NF, NF).T,
    ])
    b2 = jnp.stack([bconv_hor, bconv_vert]).reshape(2, NF, 1)

    return _mm_act(g2, wt2, b2)

# --- scband reference (transcript-rebuilt; emitter-appended) ---
"""Pipeline reference for scband-cnn-noninvariant-28226525069675 (READ-ONLY COPY).

The authoritative reference and input builder live on the scoring server;
editing this copy changes nothing except your own understanding.
"""

import jax, jax.numpy as jnp
import numpy as np

L = 224
N = 2 * L * L
NF_IN = 8
NF_OUT = 8
K = 9


def setup_inputs(seed: int = 0) -> dict:
    key = jax.random.key(seed)
    ks = jax.random.split(key, 8)
    M = L * L
    x = jax.random.normal(ks[0], (NF_IN * N,), dtype=jnp.float32)
    hor_edge_lst = jnp.arange(M, dtype=jnp.int32)
    vert_edge_lst = jnp.arange(M, dtype=jnp.int32) + M
    kernel_shifts_hor = jax.random.randint(ks[1], (M, K), 0, N).astype(jnp.int32)
    kernel_shifts_vert = jax.random.randint(ks[2], (M, K), 0, N).astype(jnp.int32)
    mask_hor = (jax.random.uniform(ks[3], (M, K)) < 0.9).astype(jnp.float32)
    mask_vert = (jax.random.uniform(ks[4], (M, K)) < 0.9).astype(jnp.float32)
    ident = jnp.concatenate([jnp.ones((1,), jnp.float32), jnp.zeros((K - 1,), jnp.float32)])
    Wconv_hor = jnp.tile(ident, (NF_OUT, NF_IN, 1)) + 0.02 * jax.random.normal(ks[5], (NF_OUT, NF_IN, K), dtype=jnp.float32)
    Wconv_vert = jnp.tile(ident, (NF_OUT, NF_IN, 1)) + 0.02 * jax.random.normal(ks[6], (NF_OUT, NF_IN, K), dtype=jnp.float32)
    bconv_hor = jnp.zeros((NF_OUT,), jnp.float32)
    bconv_vert = jnp.zeros((NF_OUT,), jnp.float32)
    return {"x": x, "Wconv_hor": Wconv_hor, "Wconv_vert": Wconv_vert, "bconv_hor": bconv_hor, "bconv_vert": bconv_vert, "mask_hor": mask_hor, "mask_vert": mask_vert, "kernel_shifts_hor": kernel_shifts_hor, "kernel_shifts_vert": kernel_shifts_vert, "hor_edge_lst": hor_edge_lst, "vert_edge_lst": vert_edge_lst}


def _masked_conv(W, x2, mask, ker):
    def step(carry, pair):
        m, k = pair
        Wm = W * m
        y = jnp.einsum('ijk,jk->i', Wm, x2[:, k])
        return carry, y
    _, zs = jax.lax.scan(step, None, (mask, ker))
    return zs


def reference(x, Wconv_hor, Wconv_vert, bconv_hor, bconv_vert, mask_hor, mask_vert, kernel_shifts_hor, kernel_shifts_vert, hor_edge_lst, vert_edge_lst):
    nf_in = Wconv_hor.shape[1]
    nf_out = Wconv_hor.shape[0]
    n_total = hor_edge_lst.shape[0] + vert_edge_lst.shape[0]
    x2 = x.reshape(nf_in, n_total)
    zs_hor = _masked_conv(Wconv_hor, x2, mask_hor, kernel_shifts_hor)
    zs_vert = _masked_conv(Wconv_vert, x2, mask_vert, kernel_shifts_vert)
    x_hor = zs_hor.T + jnp.tensordot(bconv_hor, jnp.ones((mask_hor.shape[0],), jnp.float32), axes=0)
    x_vert = zs_vert.T + jnp.tensordot(bconv_vert, jnp.ones((mask_vert.shape[0],), jnp.float32), axes=0)
    out = jnp.zeros((nf_out, n_total), dtype=x.dtype)
    out = out.at[:, hor_edge_lst].set(x_hor)
    out = out.at[:, vert_edge_lst].set(x_vert)
    out = (jax.nn.sigmoid(out) - 0.5) * (2.0 + 2.0 * jnp.e) / (jnp.e - 1.0)
    return out

if __name__ == "__main__":
    import jax
    _d = setup_inputs()
    print(jax.jit(kernel)(*tuple(_d.values())))

</pallas_src>

<mosaic_0001>
#map = affine_map<(d0, d1) -> (0)>
#map1 = affine_map<(d0, d1) -> (0, 0)>
module attributes {stable_mosaic.version = 14 : i64} {
  func.func @_sc_gather(%arg0: i32, %arg1: i32, %arg2: memref<903168xi32, #tpu.memory_space<hbm>>, %arg3: memref<103936x8xf32, #tpu.memory_space<hbm>>, %arg4: memref<903168x8xf32, #tpu.memory_space<hbm>>, %arg5: memref<2x4704xi32, #tpu.memory_space<vmem>>, %arg6: memref<2x4704x8xf32, #tpu.memory_space<vmem>>, %arg7: memref<!tpu.dma_semaphore, #tpu.memory_space<semaphore_mem>>, %arg8: memref<!tpu.dma_semaphore, #tpu.memory_space<semaphore_mem>>, %arg9: memref<!tpu.dma_semaphore, #tpu.memory_space<semaphore_mem>>, %arg10: memref<!tpu.dma_semaphore, #tpu.memory_space<semaphore_mem>>, %arg11: memref<!tpu.dma_semaphore, #tpu.memory_space<semaphore_mem>>, %arg12: memref<!tpu.dma_semaphore, #tpu.memory_space<semaphore_mem>>) attributes {dimension_semantics = [#tpu.dimension_semantics<core_parallel>, #tpu.dimension_semantics<subcore_parallel>], iteration_bounds = array<i64: 2, 16>, scalar_prefetch = 0 : i64, scratch_operands = 8 : i64, tpu.core_type = #tpu.core_type<sc_vector_subcore>, window_params = [{transform_indices = #map}, {transform_indices = #map1}, {transform_indices = #map1}]} {
    %mul3A = arith.constant 2 : i32
    %mul3A_0 = arith.muli %arg1, %mul3A : i32
    %add3A = arith.addi %mul3A_0, %arg0 : i32
    %mul3A_1 = arith.constant 28224 : i32
    %mul3A_2 = arith.muli %add3A, %mul3A_1 : i32
    %add3A_3 = arith.constant 0 : i32
    %add3A_4 = arith.addi %mul3A_2, %add3A_3 : i32
    %dma_start3A = arith.constant 0 : i32
    %dma_start3A_5 = arith.constant 0 : i32
    %dma_start3A_6 = tpu.memref_slice %arg5[%dma_start3A, %dma_start3A_5] : memref<2x4704xi32, #tpu.memory_space<vmem>> -> memref<1x4704xi32, #tpu.memory_space<vmem>>
    %dma_start3A_7 = tpu.memref_squeeze %dma_start3A_6 : memref<1x4704xi32, #tpu.memory_space<vmem>> -> memref<4704xi32, #tpu.memory_space<vmem>>
    %dma_start3A_8 = tpu.memref_slice %arg2[%add3A_4] : memref<903168xi32, #tpu.memory_space<hbm>> -> memref<4704xi32, #tpu.memory_space<hbm>>
    %dma_start3A_9 = arith.constant 0 : i32
    %dma_start3A_10 = tpu.memref_slice %arg5[%dma_start3A, %dma_start3A_9] : memref<2x4704xi32, #tpu.memory_space<vmem>> -> memref<1x4704xi32, #tpu.memory_space<vmem>>
    %dma_start3A_11 = tpu.memref_squeeze %dma_start3A_10 : memref<1x4704xi32, #tpu.memory_space<vmem>> -> memref<4704xi32, #tpu.memory_space<vmem>>
    %dma_start3A_12 = tpu.memref_slice %arg2[%add3A_4] : memref<903168xi32, #tpu.memory_space<hbm>> -> memref<4704xi32, #tpu.memory_space<hbm>>
    tpu.enqueue_dma source(%dma_start3A_12 : memref<4704xi32, #tpu.memory_space<hbm>>) target(%dma_start3A_11 : memref<4704xi32, #tpu.memory_space<vmem>>) target_semaphore(%arg7 : memref<!tpu.dma_semaphore, #tpu.memory_space<semaphore_mem>>)
    %add3A_13 = arith.constant 4704 : i32
    %add3A_14 = arith.addi %mul3A_2, %add3A_13 : i32
    %dma_start3A_15 = arith.constant 1 : i32
    %dma_start3A_16 = arith.constant 0 : i32
    %dma_start3A_17 = tpu.memref_slice %arg5[%dma_start3A_15, %dma_start3A_16] : memref<2x4704xi32, #tpu.memory_space<vmem>> -> memref<1x4704xi32, #tpu.memory_space<vmem>>
    %dma_start3A_18 = tpu.memref_squeeze %dma_start3A_17 : memref<1x4704xi32, #tpu.memory_space<vmem>> -> memref<4704xi32, #tpu.memory_space<vmem>>
    %dma_start3A_19 = tpu.memref_slice %arg2[%add3A_14] : memref<903168xi32, #tpu.memory_space<hbm>> -> memref<4704xi32, #tpu.memory_space<hbm>>
    %dma_start3A_20 = arith.constant 0 : i32
    %dma_start3A_21 = tpu.memref_slice %arg5[%dma_start3A_15, %dma_start3A_20] : memref<2x4704xi32, #tpu.memory_space<vmem>> -> memref<1x4704xi32, #tpu.memory_space<vmem>>
    %dma_start3A_22 = tpu.memref_squeeze %dma_start3A_21 : memref<1x4704xi32, #tpu.memory_space<vmem>> -> memref<4704xi32, #tpu.memory_space<vmem>>
    %dma_start3A_23 = tpu.memref_slice %arg2[%add3A_14] : memref<903168xi32, #tpu.memory_space<hbm>> -> memref<4704xi32, #tpu.memory_space<hbm>>
    tpu.enqueue_dma source(%dma_start3A_23 : memref<4704xi32, #tpu.memory_space<hbm>>) target(%dma_start3A_22 : memref<4704xi32, #tpu.memory_space<vmem>>) target_semaphore(%arg8 : memref<!tpu.dma_semaphore, #tpu.memory_space<semaphore_mem>>)
    %dma_wait3A = arith.constant 0 : i32
    %dma_wait3A_24 = arith.constant 0 : i32
    %dma_wait3A_25 = tpu.memref_slice %arg5[%dma_wait3A, %dma_wait3A_24] : memref<2x4704xi32, #tpu.memory_space<vmem>> -> memref<1x4704xi32, #tpu.memory_space<vmem>>
    %dma_wait3A_26 = tpu.memref_squeeze %dma_wait3A_25 : memref<1x4704xi32, #tpu.memory_space<vmem>> -> memref<4704xi32, #tpu.memory_space<vmem>>
    %dma_wait3A_27 = tpu.memref_slice %arg2[%add3A_4] : memref<903168xi32, #tpu.memory_space<hbm>> -> memref<4704xi32, #tpu.memory_space<hbm>>
    %dma_wait3A_28 = arith.constant 0 : i32
    %dma_wait3A_29 = tpu.memref_slice %arg5[%dma_wait3A, %dma_wait3A_28] : memref<2x4704xi32, #tpu.memory_space<vmem>> -> memref<1x4704xi32, #tpu.memory_space<vmem>>
    %dma_wait3A_30 = tpu.memref_squeeze %dma_wait3A_29 : memref<1x4704xi32, #tpu.memory_space<vmem>> -> memref<4704xi32, #tpu.memory_space<vmem>>
    %dma_wait3A_31 = tpu.memref_slice %arg2[%add3A_4] : memref<903168xi32, #tpu.memory_space<hbm>> -> memref<4704xi32, #tpu.memory_space<hbm>>
    tpu.wait_dma2 semaphore(%arg7 : memref<!tpu.dma_semaphore, #tpu.memory_space<semaphore_mem>>) src(%dma_wait3A_31 : memref<4704xi32, #tpu.memory_space<hbm>>) dst(%dma_wait3A_30 : memref<4704xi32, #tpu.memory_space<vmem>>)
    %dma_start3A_32 = arith.constant 0 : i32
    %dma_start3A_33 = arith.constant 0 : i32
    %dma_start3A_34 = arith.constant 0 : i32
    %dma_start3A_35 = arith.constant 0 : i32
    %dma_start3A_36 = tpu.memref_slice %arg6[%dma_start3A_33, %dma_start3A_34, %dma_start3A_35] : memref<2x4704x8xf32, #tpu.memory_space<vmem>> -> memref<1x4704x8xf32, #tpu.memory_space<vmem>>
    %dma_start3A_37 = tpu.memref_squeeze %dma_start3A_36 : memref<1x4704x8xf32, #tpu.memory_space<vmem>> -> memref<4704x8xf32, #tpu.memory_space<vmem>>
    %dma_start3A_38 = arith.constant 0 : i32
    %dma_start3A_39 = tpu.memref_slice %arg5[%dma_start3A_32, %dma_start3A_38] : memref<2x4704xi32, #tpu.memory_space<vmem>> -> memref<1x4704xi32, #tpu.memory_space<vmem>>
    %dma_start3A_40 = tpu.memref_squeeze %dma_start3A_39 : memref<1x4704xi32, #tpu.memory_space<vmem>> -> memref<4704xi32, #tpu.memory_space<vmem>>
    %dma_start3A_41 = arith.constant 0 : i32
    %dma_start3A_42 = arith.constant 0 : i32
    %dma_start3A_43 = tpu.memref_slice %arg3[%dma_start3A_41, %dma_start3A_42] : memref<103936x8xf32, #tpu.memory_space<hbm>> -> memref<103936x8xf32, #tpu.memory_space<hbm>>
    tpu.enqueue_indirect_dma source(%dma_start3A_43 : memref<103936x8xf32, #tpu.memory_space<hbm>>) target(%dma_start3A_37 : memref<4704x8xf32, #tpu.memory_space<vmem>>) offsets(%dma_start3A_40 : memref<4704xi32, #tpu.memory_space<vmem>>) semaphore(%arg9 : memref<!tpu.dma_semaphore, #tpu.memory_space<semaphore_mem>>)
    %dma_wait3A_44 = arith.constant 1 : i32
    %dma_wait3A_45 = arith.constant 0 : i32
    %dma_wait3A_46 = tpu.memref_slice %arg5[%dma_wait3A_44, %dma_wait3A_45] : memref<2x4704xi32, #tpu.memory_space<vmem>> -> memref<1x4704xi32, #tpu.memory_space<vmem>>
    %dma_wait3A_47 = tpu.memref_squeeze %dma_wait3A_46 : memref<1x4704xi32, #tpu.memory_space<vmem>> -> memref<4704xi32, #tpu.memory_space<vmem>>
    %dma_wait3A_48 = tpu.memref_slice %arg2[%add3A_14] : memref<903168xi32, #tpu.memory_space<hbm>> -> memref<4704xi32, #tpu.memory_space<hbm>>
    %dma_wait3A_49 = arith.constant 0 : i32
    %dma_wait3A_50 = tpu.memref_slice %arg5[%dma_wait3A_44, %dma_wait3A_49] : memref<2x4704xi32, #tpu.memory_space<vmem>> -> memref<1x4704xi32, #tpu.memory_space<vmem>>
    %dma_wait3A_51 = tpu.memref_squeeze %dma_wait3A_50 : memref<1x4704xi32, #tpu.memory_space<vmem>> -> memref<4704xi32, #tpu.memory_space<vmem>>
    %dma_wait3A_52 = tpu.memref_slice %arg2[%add3A_14] : memref<903168xi32, #tpu.memory_space<hbm>> -> memref<4704xi32, #tpu.memory_space<hbm>>
    tpu.wait_dma2 semaphore(%arg8 : memref<!tpu.dma_semaphore, #tpu.memory_space<semaphore_mem>>) src(%dma_wait3A_52 : memref<4704xi32, #tpu.memory_space<hbm>>) dst(%dma_wait3A_51 : memref<4704xi32, #tpu.memory_space<vmem>>)
    %dma_start3A_53 = arith.constant 1 : i32
    %dma_start3A_54 = arith.constant 1 : i32
    %dma_start3A_55 = arith.constant 0 : i32
    %dma_start3A_56 = arith.constant 0 : i32
    %dma_start3A_57 = tpu.memref_slice %arg6[%dma_start3A_54, %dma_start3A_55, %dma_start3A_56] : memref<2x4704x8xf32, #tpu.memory_space<vmem>> -> memref<1x4704x8xf32, #tpu.memory_space<vmem>>
    %dma_start3A_58 = tpu.memref_squeeze %dma_start3A_57 : memref<1x4704x8xf32, #tpu.memory_space<vmem>> -> memref<4704x8xf32, #tpu.memory_space<vmem>>
    %dma_start3A_59 = arith.constant 0 : i32
    %dma_start3A_60 = tpu.memref_slice %arg5[%dma_start3A_53, %dma_start3A_59] : memref<2x4704xi32, #tpu.memory_space<vmem>> -> memref<1x4704xi32, #tpu.memory_space<vmem>>
    %dma_start3A_61 = tpu.memref_squeeze %dma_start3A_60 : memref<1x4704xi32, #tpu.memory_space<vmem>> -> memref<4704xi32, #tpu.memory_space<vmem>>
    %dma_start3A_62 = arith.constant 0 : i32
    %dma_start3A_63 = arith.constant 0 : i32
    %dma_start3A_64 = tpu.memref_slice %arg3[%dma_start3A_62, %dma_start3A_63] : memref<103936x8xf32, #tpu.memory_space<hbm>> -> memref<103936x8xf32, #tpu.memory_space<hbm>>
    tpu.enqueue_indirect_dma source(%dma_start3A_64 : memref<103936x8xf32, #tpu.memory_space<hbm>>) target(%dma_start3A_58 : memref<4704x8xf32, #tpu.memory_space<vmem>>) offsets(%dma_start3A_61 : memref<4704xi32, #tpu.memory_space<vmem>>) semaphore(%arg10 : memref<!tpu.dma_semaphore, #tpu.memory_space<semaphore_mem>>)
    %dma_wait3A_65 = arith.constant 0 : i32
    %dma_wait3A_66 = arith.constant 0 : i32
    %dma_wait3A_67 = arith.constant 0 : i32
    %dma_wait3A_68 = arith.constant 0 : i32
    %dma_wait3A_69 = tpu.memref_slice %arg6[%dma_wait3A_66, %dma_wait3A_67, %dma_wait3A_68] : memref<2x4704x8xf32, #tpu.memory_space<vmem>> -> memref<1x4704x8xf32, #tpu.memory_space<vmem>>
    %dma_wait3A_70 = tpu.memref_squeeze %dma_wait3A_69 : memref<1x4704x8xf32, #tpu.memory_space<vmem>> -> memref<4704x8xf32, #tpu.memory_space<vmem>>
    %dma_wait3A_71 = arith.constant 0 : i32
    %dma_wait3A_72 = tpu.memref_slice %arg5[%dma_wait3A_65, %dma_wait3A_71] : memref<2x4704xi32, #tpu.memory_space<vmem>> -> memref<1x4704xi32, #tpu.memory_space<vmem>>
    %dma_wait3A_73 = tpu.memref_squeeze %dma_wait3A_72 : memref<1x4704xi32, #tpu.memory_space<vmem>> -> memref<4704xi32, #tpu.memory_space<vmem>>
    %dma_wait3A_74 = arith.constant 0 : i32
    %dma_wait3A_75 = arith.constant 0 : i32
    %dma_wait3A_76 = tpu.memref_slice %arg3[%dma_wait3A_74, %dma_wait3A_75] : memref<103936x8xf32, #tpu.memory_space<hbm>> -> memref<103936x8xf32, #tpu.memory_space<hbm>>
    tpu.wait_indirect_dma semaphore(%arg9 : memref<!tpu.dma_semaphore, #tpu.memory_space<semaphore_mem>>) src(%dma_wait3A_76 : memref<103936x8xf32, #tpu.memory_space<hbm>>) dst(%dma_wait3A_70 : memref<4704x8xf32, #tpu.memory_space<vmem>>)
    %add3A_77 = arith.constant 9408 : i32
    %add3A_78 = arith.addi %mul3A_2, %add3A_77 : i32
    %dma_start3A_79 = arith.constant 0 : i32
    %dma_start3A_80 = arith.constant 0 : i32
    %dma_start3A_81 = tpu.memref_slice %arg5[%dma_start3A_79, %dma_start3A_80] : memref<2x4704xi32, #tpu.memory_space<vmem>> -> memref<1x4704xi32, #tpu.memory_space<vmem>>
    %dma_start3A_82 = tpu.memref_squeeze %dma_start3A_81 : memref<1x4704xi32, #tpu.memory_space<vmem>> -> memref<4704xi32, #tpu.memory_space<vmem>>
    %dma_start3A_83 = tpu.memref_slice %arg2[%add3A_78] : memref<903168xi32, #tpu.memory_space<hbm>> -> memref<4704xi32, #tpu.memory_space<hbm>>
    %dma_start3A_84 = arith.constant 0 : i32
    %dma_start3A_85 = tpu.memref_slice %arg5[%dma_start3A_79, %dma_start3A_84] : memref<2x4704xi32, #tpu.memory_space<vmem>> -> memref<1x4704xi32, #tpu.memory_space<vmem>>
    %dma_start3A_86 = tpu.memref_squeeze %dma_start3A_85 : memref<1x4704xi32, #tpu.memory_space<vmem>> -> memref<4704xi32, #tpu.memory_space<vmem>>
    %dma_start3A_87 = tpu.memref_slice %arg2[%add3A_78] : memref<903168xi32, #tpu.memory_space<hbm>> -> memref<4704xi32, #tpu.memory_space<hbm>>
    tpu.enqueue_dma source(%dma_start3A_87 : memref<4704xi32, #tpu.memory_space<hbm>>) target(%dma_start3A_86 : memref<4704xi32, #tpu.memory_space<vmem>>) target_semaphore(%arg7 : memref<!tpu.dma_semaphore, #tpu.memory_space<semaphore_mem>>)
    %add3A_88 = arith.constant 0 : i32
    %add3A_89 = arith.addi %mul3A_2, %add3A_88 : i32
    %dma_start3A_90 = arith.constant 0 : i32
    %dma_start3A_91 = arith.constant 0 : i32
    %dma_start3A_92 = arith.constant 0 : i32
    %dma_start3A_93 = tpu.memref_slice %arg6[%dma_start3A_90, %dma_start3A_91, %dma_start3A_92] : memref<2x4704x8xf32, #tpu.memory_space<vmem>> -> memref<1x4704x8xf32, #tpu.memory_space<vmem>>
    %dma_start3A_94 = tpu.memref_squeeze %dma_start3A_93 : memref<1x4704x8xf32, #tpu.memory_space<vmem>> -> memref<4704x8xf32, #tpu.memory_space<vmem>>
    %dma_start3A_95 = arith.constant 0 : i32
    %dma_start3A_96 = tpu.memref_slice %arg4[%add3A_89, %dma_start3A_95] : memref<903168x8xf32, #tpu.memory_space<hbm>> -> memref<4704x8xf32, #tpu.memory_space<hbm>>
    %dma_start3A_97 = arith.constant 0 : i32
    %dma_start3A_98 = tpu.memref_slice %arg4[%add3A_89, %dma_start3A_97] : memref<903168x8xf32, #tpu.memory_space<hbm>> -> memref<4704x8xf32, #tpu.memory_space<hbm>>
    %dma_start3A_99 = arith.constant 0 : i32
    %dma_start3A_100 = arith.constant 0 : i32
    %dma_start3A_101 = tpu.memref_slice %arg6[%dma_start3A_90, %dma_start3A_99, %dma_start3A_100] : memref<2x4704x8xf32, #tpu.memory_space<vmem>> -> memref<1x4704x8xf32, #tpu.memory_space<vmem>>
    %dma_start3A_102 = tpu.memref_squeeze %dma_start3A_101 : memref<1x4704x8xf32, #tpu.memory_space<vmem>> -> memref<4704x8xf32, #tpu.memory_space<vmem>>
    tpu.enqueue_dma source(%dma_start3A_102 : memref<4704x8xf32, #tpu.memory_space<vmem>>) target(%dma_start3A_98 : memref<4704x8xf32, #tpu.memory_space<hbm>>) target_semaphore(%arg11 : memref<!tpu.dma_semaphore, #tpu.memory_space<semaphore_mem>>)
    %dma_wait3A_103 = arith.constant 0 : i32
    %dma_wait3A_104 = arith.constant 0 : i32
    %dma_wait3A_105 = tpu.memref_slice %arg5[%dma_wait3A_103, %dma_wait3A_104] : memref<2x4704xi32, #tpu.memory_space<vmem>> -> memref<1x4704xi32, #tpu.memory_space<vmem>>
    %dma_wait3A_106 = tpu.memref_squeeze %dma_wait3A_105 : memref<1x4704xi32, #tpu.memory_space<vmem>> -> memref<4704xi32, #tpu.memory_space<vmem>>
    %dma_wait3A_107 = tpu.memref_slice %arg2[%add3A_78] : memref<903168xi32, #tpu.memory_space<hbm>> -> memref<4704xi32, #tpu.memory_space<hbm>>
    %dma_wait3A_108 = arith.constant 0 : i32
    %dma_wait3A_109 = tpu.memref_slice %arg5[%dma_wait3A_103, %dma_wait3A_108] : memref<2x4704xi32, #tpu.memory_space<vmem>> -> memref<1x4704xi32, #tpu.memory_space<vmem>>
    %dma_wait3A_110 = tpu.memref_squeeze %dma_wait3A_109 : memref<1x4704xi32, #tpu.memory_space<vmem>> -> memref<4704xi32, #tpu.memory_space<vmem>>
    %dma_wait3A_111 = tpu.memref_slice %arg2[%add3A_78] : memref<903168xi32, #tpu.memory_space<hbm>> -> memref<4704xi32, #tpu.memory_space<hbm>>
    tpu.wait_dma2 semaphore(%arg7 : memref<!tpu.dma_semaphore, #tpu.memory_space<semaphore_mem>>) src(%dma_wait3A_111 : memref<4704xi32, #tpu.memory_space<hbm>>) dst(%dma_wait3A_110 : memref<4704xi32, #tpu.memory_space<vmem>>)
    %dma_wait3A_112 = arith.constant 0 : i32
    %dma_wait3A_113 = arith.constant 0 : i32
    %dma_wait3A_114 = arith.constant 0 : i32
    %dma_wait3A_115 = tpu.memref_slice %arg6[%dma_wait3A_112, %dma_wait3A_113, %dma_wait3A_114] : memref<2x4704x8xf32, #tpu.memory_space<vmem>> -> memref<1x4704x8xf32, #tpu.memory_space<vmem>>
    %dma_wait3A_116 = tpu.memref_squeeze %dma_wait3A_115 : memref<1x4704x8xf32, #tpu.memory_space<vmem>> -> memref<4704x8xf32, #tpu.memory_space<vmem>>
    %dma_wait3A_117 = arith.constant 0 : i32
    %dma_wait3A_118 = tpu.memref_slice %arg4[%add3A_89, %dma_wait3A_117] : memref<903168x8xf32, #tpu.memory_space<hbm>> -> memref<4704x8xf32, #tpu.memory_space<hbm>>
    %dma_wait3A_119 = arith.constant 0 : i32
    %dma_wait3A_120 = tpu.memref_slice %arg4[%add3A_89, %dma_wait3A_119] : memref<903168x8xf32, #tpu.memory_space<hbm>> -> memref<4704x8xf32, #tpu.memory_space<hbm>>
    %dma_wait3A_121 = arith.constant 0 : i32
    %dma_wait3A_122 = arith.constant 0 : i32
    %dma_wait3A_123 = tpu.memref_slice %arg6[%dma_wait3A_112, %dma_wait3A_121, %dma_wait3A_122] : memref<2x4704x8xf32, #tpu.memory_space<vmem>> -> memref<1x4704x8xf32, #tpu.memory_space<vmem>>
    %dma_wait3A_124 = tpu.memref_squeeze %dma_wait3A_123 : memref<1x4704x8xf32, #tpu.memory_space<vmem>> -> memref<4704x8xf32, #tpu.memory_space<vmem>>
    tpu.wait_dma2 semaphore(%arg11 : memref<!tpu.dma_semaphore, #tpu.memory_space<semaphore_mem>>) src(%dma_wait3A_124 : memref<4704x8xf32, #tpu.memory_space<vmem>>) dst(%dma_wait3A_120 : memref<4704x8xf32, #tpu.memory_space<hbm>>)
    %dma_start3A_125 = arith.constant 0 : i32
    %dma_start3A_126 = arith.constant 0 : i32
    %dma_start3A_127 = arith.constant 0 : i32
    %dma_start3A_128 = arith.constant 0 : i32
    %dma_start3A_129 = tpu.memref_slice %arg6[%dma_start3A_126, %dma_start3A_127, %dma_start3A_128] : memref<2x4704x8xf32, #tpu.memory_space<vmem>> -> memref<1x4704x8xf32, #tpu.memory_space<vmem>>
    %dma_start3A_130 = tpu.memref_squeeze %dma_start3A_129 : memref<1x4704x8xf32, #tpu.memory_space<vmem>> -> memref<4704x8xf32, #tpu.memory_space<vmem>>
    %dma_start3A_131 = arith.constant 0 : i32
    %dma_start3A_132 = tpu.memref_slice %arg5[%dma_start3A_125, %dma_start3A_131] : memref<2x4704xi32, #tpu.memory_space<vmem>> -> memref<1x4704xi32, #tpu.memory_space<vmem>>
    %dma_start3A_133 = tpu.memref_squeeze %dma_start3A_132 : memref<1x4704xi32, #tpu.memory_space<vmem>> -> memref<4704xi32, #tpu.memory_space<vmem>>
    %dma_start3A_134 = arith.constant 0 : i32
    %dma_start3A_135 = arith.constant 0 : i32
    %dma_start3A_136 = tpu.memref_slice %arg3[%dma_start3A_134, %dma_start3A_135] : memref<103936x8xf32, #tpu.memory_space<hbm>> -> memref<103936x8xf32, #tpu.memory_space<hbm>>
    tpu.enqueue_indirect_dma source(%dma_start3A_136 : memref<103936x8xf32, #tpu.memory_space<hbm>>) target(%dma_start3A_130 : memref<4704x8xf32, #tpu.memory_space<vmem>>) offsets(%dma_start3A_133 : memref<4704xi32, #tpu.memory_space<vmem>>) semaphore(%arg9 : memref<!tpu.dma_semaphore, #tpu.memory_space<semaphore_mem>>)
    %dma_wait3A_137 = arith.constant 1 : i32
    %dma_wait3A_138 = arith.constant 1 : i32
    %dma_wait3A_139 = arith.constant 0 : i32
    %dma_wait3A_140 = arith.constant 0 : i32
    %dma_wait3A_141 = tpu.memref_slice %arg6[%dma_wait3A_138, %dma_wait3A_139, %dma_wait3A_140] : memref<2x4704x8xf32, #tpu.memory_space<vmem>> -> memref<1x4704x8xf32, #tpu.memory_space<vmem>>
    %dma_wait3A_142 = tpu.memref_squeeze %dma_wait3A_141 : memref<1x4704x8xf32, #tpu.memory_space<vmem>> -> memref<4704x8xf32, #tpu.memory_space<vmem>>
    %dma_wait3A_143 = arith.constant 0 : i32
    %dma_wait3A_144 = tpu.memref_slice %arg5[%dma_wait3A_137, %dma_wait3A_143] : memref<2x4704xi32, #tpu.memory_space<vmem>> -> memref<1x4704xi32, #tpu.memory_space<vmem>>
    %dma_wait3A_145 = tpu.memref_squeeze %dma_wait3A_144 : memref<1x4704xi32, #tpu.memory_space<vmem>> -> memref<4704xi32, #tpu.memory_space<vmem>>
    %dma_wait3A_146 = arith.constant 0 : i32
    %dma_wait3A_147 = arith.constant 0 : i32
    %dma_wait3A_148 = tpu.memref_slice %arg3[%dma_wait3A_146, %dma_wait3A_147] : memref<103936x8xf32, #tpu.memory_space<hbm>> -> memref<103936x8xf32, #tpu.memory_space<hbm>>
    tpu.wait_indirect_dma semaphore(%arg10 : memref<!tpu.dma_semaphore, #tpu.memory_space<semaphore_mem>>) src(%dma_wait3A_148 : memref<103936x8xf32, #tpu.memory_space<hbm>>) dst(%dma_wait3A_142 : memref<4704x8xf32, #tpu.memory_space<vmem>>)
    %add3A_149 = arith.constant 14112 : i32
    %add3A_150 = arith.addi %mul3A_2, %add3A_149 : i32
    %dma_start3A_151 = arith.constant 1 : i32
    %dma_start3A_152 = arith.constant 0 : i32
    %dma_start3A_153 = tpu.memref_slice %arg5[%dma_start3A_151, %dma_start3A_152] : memref<2x4704xi32, #tpu.memory_space<vmem>> -> memref<1x4704xi32, #tpu.memory_space<vmem>>
    %dma_start3A_154 = tpu.memref_squeeze %dma_start3A_153 : memref<1x4704xi32, #tpu.memory_space<vmem>> -> memref<4704xi32, #tpu.memory_space<vmem>>
    %dma_start3A_155 = tpu.memref_slice %arg2[%add3A_150] : memref<903168xi32, #tpu.memory_space<hbm>> -> memref<4704xi32, #tpu.memory_space<hbm>>
    %dma_start3A_156 = arith.constant 0 : i32
    %dma_start3A_157 = tpu.memref_slice %arg5[%dma_start3A_151, %dma_start3A_156] : memref<2x4704xi32, #tpu.memory_space<vmem>> -> memref<1x4704xi32, #tpu.memory_space<vmem>>
    %dma_start3A_158 = tpu.memref_squeeze %dma_start3A_157 : memref<1x4704xi32, #tpu.memory_space<vmem>> -> memref<4704xi32, #tpu.memory_space<vmem>>
    %dma_start3A_159 = tpu.memref_slice %arg2[%add3A_150] : memref<903168xi32, #tpu.memory_space<hbm>> -> memref<4704xi32, #tpu.memory_space<hbm>>
    tpu.enqueue_dma source(%dma_start3A_159 : memref<4704xi32, #tpu.memory_space<hbm>>) target(%dma_start3A_158 : memref<4704xi32, #tpu.memory_space<vmem>>) target_semaphore(%arg8 : memref<!tpu.dma_semaphore, #tpu.memory_space<semaphore_mem>>)
    %add3A_160 = arith.constant 4704 : i32
    %add3A_161 = arith.addi %mul3A_2, %add3A_160 : i32
    %dma_start3A_162 = arith.constant 1 : i32
    %dma_start3A_163 = arith.constant 0 : i32
    %dma_start3A_164 = arith.constant 0 : i32
    %dma_start3A_165 = tpu.memref_slice %arg6[%dma_start3A_162, %dma_start3A_163, %dma_start3A_164] : memref<2x4704x8xf32, #tpu.memory_space<vmem>> -> memref<1x4704x8xf32, #tpu.memory_space<vmem>>
    %dma_start3A_166 = tpu.memref_squeeze %dma_start3A_165 : memref<1x4704x8xf32, #tpu.memory_space<vmem>> -> memref<4704x8xf32, #tpu.memory_space<vmem>>
    %dma_start3A_167 = arith.constant 0 : i32
    %dma_start3A_168 = tpu.memref_slice %arg4[%add3A_161, %dma_start3A_167] : memref<903168x8xf32, #tpu.memory_space<hbm>> -> memref<4704x8xf32, #tpu.memory_space<hbm>>
    %dma_start3A_169 = arith.constant 0 : i32
    %dma_start3A_170 = tpu.memref_slice %arg4[%add3A_161, %dma_start3A_169] : memref<903168x8xf32, #tpu.memory_space<hbm>> -> memref<4704x8xf32, #tpu.memory_space<hbm>>
    %dma_start3A_171 = arith.constant 0 : i32
    %dma_start3A_172 = arith.constant 0 : i32
    %dma_start3A_173 = tpu.memref_slice %arg6[%dma_start3A_162, %dma_start3A_171, %dma_start3A_172] : memref<2x4704x8xf32, #tpu.memory_space<vmem>> -> memref<1x4704x8xf32, #tpu.memory_space<vmem>>
    %dma_start3A_174 = tpu.memref_squeeze %dma_start3A_173 : memref<1x4704x8xf32, #tpu.memory_space<vmem>> -> memref<4704x8xf32, #tpu.memory_space<vmem>>
    tpu.enqueue_dma source(%dma_start3A_174 : memref<4704x8xf32, #tpu.memory_space<vmem>>) target(%dma_start3A_170 : memref<4704x8xf32, #tpu.memory_space<hbm>>) target_semaphore(%arg12 : memref<!tpu.dma_semaphore, #tpu.memory_space<semaphore_mem>>)
    %dma_wait3A_175 = arith.constant 1 : i32
    %dma_wait3A_176 = arith.constant 0 : i32
    %dma_wait3A_177 = tpu.memref_slice %arg5[%dma_wait3A_175, %dma_wait3A_176] : memref<2x4704xi32, #tpu.memory_space<vmem>> -> memref<1x4704xi32, #tpu.memory_space<vmem>>
    %dma_wait3A_178 = tpu.memref_squeeze %dma_wait3A_177 : memref<1x4704xi32, #tpu.memory_space<vmem>> -> memref<4704xi32, #tpu.memory_space<vmem>>
    %dma_wait3A_179 = tpu.memref_slice %arg2[%add3A_150] : memref<903168xi32, #tpu.memory_space<hbm>> -> memref<4704xi32, #tpu.memory_space<hbm>>
    %dma_wait3A_180 = arith.constant 0 : i32
    %dma_wait3A_181 = tpu.memref_slice %arg5[%dma_wait3A_175, %dma_wait3A_180] : memref<2x4704xi32, #tpu.memory_space<vmem>> -> memref<1x4704xi32, #tpu.memory_space<vmem>>
    %dma_wait3A_182 = tpu.memref_squeeze %dma_wait3A_181 : memref<1x4704xi32, #tpu.memory_space<vmem>> -> memref<4704xi32, #tpu.memory_space<vmem>>
    %dma_wait3A_183 = tpu.memref_slice %arg2[%add3A_150] : memref<903168xi32, #tpu.memory_space<hbm>> -> memref<4704xi32, #tpu.memory_space<hbm>>
    tpu.wait_dma2 semaphore(%arg8 : memref<!tpu.dma_semaphore, #tpu.memory_space<semaphore_mem>>) src(%dma_wait3A_183 : memref<4704xi32, #tpu.memory_space<hbm>>) dst(%dma_wait3A_182 : memref<4704xi32, #tpu.memory_space<vmem>>)
    %dma_wait3A_184 = arith.constant 1 : i32
    %dma_wait3A_185 = arith.constant 0 : i32
    %dma_wait3A_186 = arith.constant 0 : i32
    %dma_wait3A_187 = tpu.memref_slice %arg6[%dma_wait3A_184, %dma_wait3A_185, %dma_wait3A_186] : memref<2x4704x8xf32, #tpu.memory_space<vmem>> -> memref<1x4704x8xf32, #tpu.memory_space<vmem>>
    %dma_wait3A_188 = tpu.memref_squeeze %dma_wait3A_187 : memref<1x4704x8xf32, #tpu.memory_space<vmem>> -> memref<4704x8xf32, #tpu.memory_space<vmem>>
    %dma_wait3A_189 = arith.constant 0 : i32
    %dma_wait3A_190 = tpu.memref_slice %arg4[%add3A_161, %dma_wait3A_189] : memref<903168x8xf32, #tpu.memory_space<hbm>> -> memref<4704x8xf32, #tpu.memory_space<hbm>>
    %dma_wait3A_191 = arith.constant 0 : i32
    %dma_wait3A_192 = tpu.memref_slice %arg4[%add3A_161, %dma_wait3A_191] : memref<903168x8xf32, #tpu.memory_space<hbm>> -> memref<4704x8xf32, #tpu.memory_space<hbm>>
    %dma_wait3A_193 = arith.constant 0 : i32
    %dma_wait3A_194 = arith.constant 0 : i32
    %dma_wait3A_195 = tpu.memref_slice %arg6[%dma_wait3A_184, %dma_wait3A_193, %dma_wait3A_194] : memref<2x4704x8xf32, #tpu.memory_space<vmem>> -> memref<1x4704x8xf32, #tpu.memory_space<vmem>>
    %dma_wait3A_196 = tpu.memref_squeeze %dma_wait3A_195 : memref<1x4704x8xf32, #tpu.memory_space<vmem>> -> memref<4704x8xf32, #tpu.memory_space<vmem>>
    tpu.wait_dma2 semaphore(%arg12 : memref<!tpu.dma_semaphore, #tpu.memory_space<semaphore_mem>>) src(%dma_wait3A_196 : memref<4704x8xf32, #tpu.memory_space<vmem>>) dst(%dma_wait3A_192 : memref<4704x8xf32, #tpu.memory_space<hbm>>)
    %dma_start3A_197 = arith.constant 1 : i32
    %dma_start3A_198 = arith.constant 1 : i32
    %dma_start3A_199 = arith.constant 0 : i32
    %dma_start3A_200 = arith.constant 0 : i32
    %dma_start3A_201 = tpu.memref_slice %arg6[%dma_start3A_198, %dma_start3A_199, %dma_start3A_200] : memref<2x4704x8xf32, #tpu.memory_space<vmem>> -> memref<1x4704x8xf32, #tpu.memory_space<vmem>>
    %dma_start3A_202 = tpu.memref_squeeze %dma_start3A_201 : memref<1x4704x8xf32, #tpu.memory_space<vmem>> -> memref<4704x8xf32, #tpu.memory_space<vmem>>
    %dma_start3A_203 = arith.constant 0 : i32
    %dma_start3A_204 = tpu.memref_slice %arg5[%dma_start3A_197, %dma_start3A_203] : memref<2x4704xi32, #tpu.memory_space<vmem>> -> memref<1x4704xi32, #tpu.memory_space<vmem>>
    %dma_start3A_205 = tpu.memref_squeeze %dma_start3A_204 : memref<1x4704xi32, #tpu.memory_space<vmem>> -> memref<4704xi32, #tpu.memory_space<vmem>>
    %dma_start3A_206 = arith.constant 0 : i32
    %dma_start3A_207 = arith.constant 0 : i32
    %dma_start3A_208 = tpu.memref_slice %arg3[%dma_start3A_206, %dma_start3A_207] : memref<103936x8xf32, #tpu.memory_space<hbm>> -> memref<103936x8xf32, #tpu.memory_space<hbm>>
    tpu.enqueue_indirect_dma source(%dma_start3A_208 : memref<103936x8xf32, #tpu.memory_space<hbm>>) target(%dma_start3A_202 : memref<4704x8xf32, #tpu.memory_space<vmem>>) offsets(%dma_start3A_205 : memref<4704xi32, #tpu.memory_space<vmem>>) semaphore(%arg10 : memref<!tpu.dma_semaphore, #tpu.memory_space<semaphore_mem>>)
    %dma_wait3A_209 = arith.constant 0 : i32
    %dma_wait3A_210 = arith.constant 0 : i32
    %dma_wait3A_211 = arith.constant 0 : i32
    %dma_wait3A_212 = arith.constant 0 : i32
    %dma_wait3A_213 = tpu.memref_slice %arg6[%dma_wait3A_210, %dma_wait3A_211, %dma_wait3A_212] : memref<2x4704x8xf32, #tpu.memory_space<vmem>> -> memref<1x4704x8xf32, #tpu.memory_space<vmem>>
    %dma_wait3A_214 = tpu.memref_squeeze %dma_wait3A_213 : memref<1x4704x8xf32, #tpu.memory_space<vmem>> -> memref<4704x8xf32, #tpu.memory_space<vmem>>
    %dma_wait3A_215 = arith.constant 0 : i32
    %dma_wait3A_216 = tpu.memref_slice %arg5[%dma_wait3A_209, %dma_wait3A_215] : memref<2x4704xi32, #tpu.memory_space<vmem>> -> memref<1x4704xi32, #tpu.memory_space<vmem>>
    %dma_wait3A_217 = tpu.memref_squeeze %dma_wait3A_216 : memref<1x4704xi32, #tpu.memory_space<vmem>> -> memref<4704xi32, #tpu.memory_space<vmem>>
    %dma_wait3A_218 = arith.constant 0 : i32
    %dma_wait3A_219 = arith.constant 0 : i32
    %dma_wait3A_220 = tpu.memref_slice %arg3[%dma_wait3A_218, %dma_wait3A_219] : memref<103936x8xf32, #tpu.memory_space<hbm>> -> memref<103936x8xf32, #tpu.memory_space<hbm>>
    tpu.wait_indirect_dma semaphore(%arg9 : memref<!tpu.dma_semaphore, #tpu.memory_space<semaphore_mem>>) src(%dma_wait3A_220 : memref<103936x8xf32, #tpu.memory_space<hbm>>) dst(%dma_wait3A_214 : memref<4704x8xf32, #tpu.memory_space<vmem>>)
    %add3A_221 = arith.constant 18816 : i32
    %add3A_222 = arith.addi %mul3A_2, %add3A_221 : i32
    %dma_start3A_223 = arith.constant 0 : i32
    %dma_start3A_224 = arith.constant 0 : i32
    %dma_start3A_225 = tpu.memref_slice %arg5[%dma_start3A_223, %dma_start3A_224] : memref<2x4704xi32, #tpu.memory_space<vmem>> -> memref<1x4704xi32, #tpu.memory_space<vmem>>
    %dma_start3A_226 = tpu.memref_squeeze %dma_start3A_225 : memref<1x4704xi32, #tpu.memory_space<vmem>> -> memref<4704xi32, #tpu.memory_space<vmem>>
    %dma_start3A_227 = tpu.memref_slice %arg2[%add3A_222] : memref<903168xi32, #tpu.memory_space<hbm>> -> memref<4704xi32, #tpu.memory_space<hbm>>
    %dma_start3A_228 = arith.constant 0 : i32
    %dma_start3A_229 = tpu.memref_slice %arg5[%dma_start3A_223, %dma_start3A_228] : memref<2x4704xi32, #tpu.memory_space<vmem>> -> memref<1x4704xi32, #tpu.memory_space<vmem>>
    %dma_start3A_230 = tpu.memref_squeeze %dma_start3A_229 : memref<1x4704xi32, #tpu.memory_space<vmem>> -> memref<4704xi32, #tpu.memory_space<vmem>>
    %dma_start3A_231 = tpu.memref_slice %arg2[%add3A_222] : memref<903168xi32, #tpu.memory_space<hbm>> -> memref<4704xi32, #tpu.memory_space<hbm>>
    tpu.enqueue_dma source(%dma_start3A_231 : memref<4704xi32, #tpu.memory_space<hbm>>) target(%dma_start3A_230 : memref<4704xi32, #tpu.memory_space<vmem>>) target_semaphore(%arg7 : memref<!tpu.dma_semaphore, #tpu.memory_space<semaphore_mem>>)
    %add3A_232 = arith.constant 9408 : i32
    %add3A_233 = arith.addi %mul3A_2, %add3A_232 : i32
    %dma_start3A_234 = arith.constant 0 : i32
    %dma_start3A_235 = arith.constant 0 : i32
    %dma_start3A_236 = arith.constant 0 : i32
    %dma_start3A_237 = tpu.memref_slice %arg6[%dma_start3A_234, %dma_start3A_235, %dma_start3A_236] : memref<2x4704x8xf32, #tpu.memory_space<vmem>> -> memref<1x4704x8xf32, #tpu.memory_space<vmem>>
    %dma_start3A_238 = tpu.memref_squeeze %dma_start3A_237 : memref<1x4704x8xf32, #tpu.memory_space<vmem>> -> memref<4704x8xf32, #tpu.memory_space<vmem>>
    %dma_start3A_239 = arith.constant 0 : i32
    %dma_start3A_240 = tpu.memref_slice %arg4[%add3A_233, %dma_start3A_239] : memref<903168x8xf32, #tpu.memory_space<hbm>> -> memref<4704x8xf32, #tpu.memory_space<hbm>>
    %dma_start3A_241 = arith.constant 0 : i32
    %dma_start3A_242 = tpu.memref_slice %arg4[%add3A_233, %dma_start3A_241] : memref<903168x8xf32, #tpu.memory_space<hbm>> -> memref<4704x8xf32, #tpu.memory_space<hbm>>
    %dma_start3A_243 = arith.constant 0 : i32
    %dma_start3A_244 = arith.constant 0 : i32
    %dma_start3A_245 = tpu.memref_slice %arg6[%dma_start3A_234, %dma_start3A_243, %dma_start3A_244] : memref<2x4704x8xf32, #tpu.memory_space<vmem>> -> memref<1x4704x8xf32, #tpu.memory_space<vmem>>
    %dma_start3A_246 = tpu.memref_squeeze %dma_start3A_245 : memref<1x4704x8xf32, #tpu.memory_space<vmem>> -> memref<4704x8xf32, #tpu.memory_space<vmem>>
    tpu.enqueue_dma source(%dma_start3A_246 : memref<4704x8xf32, #tpu.memory_space<vmem>>) target(%dma_start3A_242 : memref<4704x8xf32, #tpu.memory_space<hbm>>) target_semaphore(%arg11 : memref<!tpu.dma_semaphore, #tpu.memory_space<semaphore_mem>>)
    %dma_wait3A_247 = arith.constant 0 : i32
    %dma_wait3A_248 = arith.constant 0 : i32
    %dma_wait3A_249 = tpu.memref_slice %arg5[%dma_wait3A_247, %dma_wait3A_248] : memref<2x4704xi32, #tpu.memory_space<vmem>> -> memref<1x4704xi32, #tpu.memory_space<vmem>>
    %dma_wait3A_250 = tpu.memref_squeeze %dma_wait3A_249 : memref<1x4704xi32, #tpu.memory_space<vmem>> -> memref<4704xi32, #tpu.memory_space<vmem>>
    %dma_wait3A_251 = tpu.memref_slice %arg2[%add3A_222] : memref<903168xi32, #tpu.memory_space<hbm>> -> memref<4704xi32, #tpu.memory_space<hbm>>
    %dma_wait3A_252 = arith.constant 0 : i32
    %dma_wait3A_253 = tpu.memref_slice %arg5[%dma_wait3A_247, %dma_wait3A_252] : memref<2x4704xi32, #tpu.memory_space<vmem>> -> memref<1x4704xi32, #tpu.memory_space<vmem>>
    %dma_wait3A_254 = tpu.memref_squeeze %dma_wait3A_253 : memref<1x4704xi32, #tpu.memory_space<vmem>> -> memref<4704xi32, #tpu.memory_space<vmem>>
    %dma_wait3A_255 = tpu.memref_slice %arg2[%add3A_222] : memref<903168xi32, #tpu.memory_space<hbm>> -> memref<4704xi32, #tpu.memory_space<hbm>>
    tpu.wait_dma2 semaphore(%arg7 : memref<!tpu.dma_semaphore, #tpu.memory_space<semaphore_mem>>) src(%dma_wait3A_255 : memref<4704xi32, #tpu.memory_space<hbm>>) dst(%dma_wait3A_254 : memref<4704xi32, #tpu.memory_space<vmem>>)
    %dma_wait3A_256 = arith.constant 0 : i32
    %dma_wait3A_257 = arith.constant 0 : i32
    %dma_wait3A_258 = arith.constant 0 : i32
    %dma_wait3A_259 = tpu.memref_slice %arg6[%dma_wait3A_256, %dma_wait3A_257, %dma_wait3A_258] : memref<2x4704x8xf32, #tpu.memory_space<vmem>> -> memref<1x4704x8xf32, #tpu.memory_space<vmem>>
    %dma_wait3A_260 = tpu.memref_squeeze %dma_wait3A_259 : memref<1x4704x8xf32, #tpu.memory_space<vmem>> -> memref<4704x8xf32, #tpu.memory_space<vmem>>
    %dma_wait3A_261 = arith.constant 0 : i32
    %dma_wait3A_262 = tpu.memref_slice %arg4[%add3A_233, %dma_wait3A_261] : memref<903168x8xf32, #tpu.memory_space<hbm>> -> memref<4704x8xf32, #tpu.memory_space<hbm>>
    %dma_wait3A_263 = arith.constant 0 : i32
    %dma_wait3A_264 = tpu.memref_slice %arg4[%add3A_233, %dma_wait3A_263] : memref<903168x8xf32, #tpu.memory_space<hbm>> -> memref<4704x8xf32, #tpu.memory_space<hbm>>
    %dma_wait3A_265 = arith.constant 0 : i32
    %dma_wait3A_266 = arith.constant 0 : i32
    %dma_wait3A_267 = tpu.memref_slice %arg6[%dma_wait3A_256, %dma_wait3A_265, %dma_wait3A_266] : memref<2x4704x8xf32, #tpu.memory_space<vmem>> -> memref<1x4704x8xf32, #tpu.memory_space<vmem>>
    %dma_wait3A_268 = tpu.memref_squeeze %dma_wait3A_267 : memref<1x4704x8xf32, #tpu.memory_space<vmem>> -> memref<4704x8xf32, #tpu.memory_space<vmem>>
    tpu.wait_dma2 semaphore(%arg11 : memref<!tpu.dma_semaphore, #tpu.memory_space<semaphore_mem>>) src(%dma_wait3A_268 : memref<4704x8xf32, #tpu.memory_space<vmem>>) dst(%dma_wait3A_264 : memref<4704x8xf32, #tpu.memory_space<hbm>>)
    %dma_start3A_269 = arith.constant 0 : i32
    %dma_start3A_270 = arith.constant 0 : i32
    %dma_start3A_271 = arith.constant 0 : i32
    %dma_start3A_272 = arith.constant 0 : i32
    %dma_start3A_273 = tpu.memref_slice %arg6[%dma_start3A_270, %dma_start3A_271, %dma_start3A_272] : memref<2x4704x8xf32, #tpu.memory_space<vmem>> -> memref<1x4704x8xf32, #tpu.memory_space<vmem>>
    %dma_start3A_274 = tpu.memref_squeeze %dma_start3A_273 : memref<1x4704x8xf32, #tpu.memory_space<vmem>> -> memref<4704x8xf32, #tpu.memory_space<vmem>>
    %dma_start3A_275 = arith.constant 0 : i32
    %dma_start3A_276 = tpu.memref_slice %arg5[%dma_start3A_269, %dma_start3A_275] : memref<2x4704xi32, #tpu.memory_space<vmem>> -> memref<1x4704xi32, #tpu.memory_space<vmem>>
    %dma_start3A_277 = tpu.memref_squeeze %dma_start3A_276 : memref<1x4704xi32, #tpu.memory_space<vmem>> -> memref<4704xi32, #tpu.memory_space<vmem>>
    %dma_start3A_278 = arith.constant 0 : i32
    %dma_start3A_279 = arith.constant 0 : i32
    %dma_start3A_280 = tpu.memref_slice %arg3[%dma_start3A_278, %dma_start3A_279] : memref<103936x8xf32, #tpu.memory_space<hbm>> -> memref<103936x8xf32, #tpu.memory_space<hbm>>
    tpu.enqueue_indirect_dma source(%dma_start3A_280 : memref<103936x8xf32, #tpu.memory_space<hbm>>) target(%dma_start3A_274 : memref<4704x8xf32, #tpu.memory_space<vmem>>) offsets(%dma_start3A_277 : memref<4704xi32, #tpu.memory_space<vmem>>) semaphore(%arg9 : memref<!tpu.dma_semaphore, #tpu.memory_space<semaphore_mem>>)
    %dma_wait3A_281 = arith.constant 1 : i32
    %dma_wait3A_282 = arith.constant 1 : i32
    %dma_wait3A_283 = arith.constant 0 : i32
    %dma_wait3A_284 = arith.constant 0 : i32
    %dma_wait3A_285 = tpu.memref_slice %arg6[%dma_wait3A_282, %dma_wait3A_283, %dma_wait3A_284] : memref<2x4704x8xf32, #tpu.memory_space<vmem>> -> memref<1x4704x8xf32, #tpu.memory_space<vmem>>
    %dma_wait3A_286 = tpu.memref_squeeze %dma_wait3A_285 : memref<1x4704x8xf32, #tpu.memory_space<vmem>> -> memref<4704x8xf32, #tpu.memory_space<vmem>>
    %dma_wait3A_287 = arith.constant 0 : i32
    %dma_wait3A_288 = tpu.memref_slice %arg5[%dma_wait3A_281, %dma_wait3A_287] : memref<2x4704xi32, #tpu.memory_space<vmem>> -> memref<1x4704xi32, #tpu.memory_space<vmem>>
    %dma_wait3A_289 = tpu.memref_squeeze %dma_wait3A_288 : memref<1x4704xi32, #tpu.memory_space<vmem>> -> memref<4704xi32, #tpu.memory_space<vmem>>
    %dma_wait3A_290 = arith.constant 0 : i32
    %dma_wait3A_291 = arith.constant 0 : i32
    %dma_wait3A_292 = tpu.memref_slice %arg3[%dma_wait3A_290, %dma_wait3A_291] : memref<103936x8xf32, #tpu.memory_space<hbm>> -> memref<103936x8xf32, #tpu.memory_space<hbm>>
    tpu.wait_indirect_dma semaphore(%arg10 : memref<!tpu.dma_semaphore, #tpu.memory_space<semaphore_mem>>) src(%dma_wait3A_292 : memref<103936x8xf32, #tpu.memory_space<hbm>>) dst(%dma_wait3A_286 : memref<4704x8xf32, #tpu.memory_space<vmem>>)
    %add3A_293 = arith.constant 23520 : i32
    %add3A_294 = arith.addi %mul3A_2, %add3A_293 : i32
    %dma_start3A_295 = arith.constant 1 : i32
    %dma_start3A_296 = arith.constant 0 : i32
    %dma_start3A_297 = tpu.memref_slice %arg5[%dma_start3A_295, %dma_start3A_296] : memref<2x4704xi32, #tpu.memory_space<vmem>> -> memref<1x4704xi32, #tpu.memory_space<vmem>>
    %dma_start3A_298 = tpu.memref_squeeze %dma_start3A_297 : memref<1x4704xi32, #tpu.memory_space<vmem>> -> memref<4704xi32, #tpu.memory_space<vmem>>
    %dma_start3A_299 = tpu.memref_slice %arg2[%add3A_294] : memref<903168xi32, #tpu.memory_space<hbm>> -> memref<4704xi32, #tpu.memory_space<hbm>>
    %dma_start3A_300 = arith.constant 0 : i32
    %dma_start3A_301 = tpu.memref_slice %arg5[%dma_start3A_295, %dma_start3A_300] : memref<2x4704xi32, #tpu.memory_space<vmem>> -> memref<1x4704xi32, #tpu.memory_space<vmem>>
    %dma_start3A_302 = tpu.memref_squeeze %dma_start3A_301 : memref<1x4704xi32, #tpu.memory_space<vmem>> -> memref<4704xi32, #tpu.memory_space<vmem>>
    %dma_start3A_303 = tpu.memref_slice %arg2[%add3A_294] : memref<903168xi32, #tpu.memory_space<hbm>> -> memref<4704xi32, #tpu.memory_space<hbm>>
    tpu.enqueue_dma source(%dma_start3A_303 : memref<4704xi32, #tpu.memory_space<hbm>>) target(%dma_start3A_302 : memref<4704xi32, #tpu.memory_space<vmem>>) target_semaphore(%arg8 : memref<!tpu.dma_semaphore, #tpu.memory_space<semaphore_mem>>)
    %add3A_304 = arith.constant 14112 : i32
    %add3A_305 = arith.addi %mul3A_2, %add3A_304 : i32
    %dma_start3A_306 = arith.constant 1 : i32
    %dma_start3A_307 = arith.constant 0 : i32
    %dma_start3A_308 = arith.constant 0 : i32
    %dma_start3A_309 = tpu.memref_slice %arg6[%dma_start3A_306, %dma_start3A_307, %dma_start3A_308] : memref<2x4704x8xf32, #tpu.memory_space<vmem>> -> memref<1x4704x8xf32, #tpu.memory_space<vmem>>
    %dma_start3A_310 = tpu.memref_squeeze %dma_start3A_309 : memref<1x4704x8xf32, #tpu.memory_space<vmem>> -> memref<4704x8xf32, #tpu.memory_space<vmem>>
    %dma_start3A_311 = arith.constant 0 : i32
    %dma_start3A_312 = tpu.memref_slice %arg4[%add3A_305, %dma_start3A_311] : memref<903168x8xf32, #tpu.memory_space<hbm>> -> memref<4704x8xf32, #tpu.memory_space<hbm>>
    %dma_start3A_313 = arith.constant 0 : i32
    %dma_start3A_314 = tpu.memref_slice %arg4[%add3A_305, %dma_start3A_313] : memref<903168x8xf32, #tpu.memory_space<hbm>> -> memref<4704x8xf32, #tpu.memory_space<hbm>>
    %dma_start3A_315 = arith.constant 0 : i32
    %dma_start3A_316 = arith.constant 0 : i32
    %dma_start3A_317 = tpu.memref_slice %arg6[%dma_start3A_306, %dma_start3A_315, %dma_start3A_316] : memref<2x4704x8xf32, #tpu.memory_space<vmem>> -> memref<1x4704x8xf32, #tpu.memory_space<vmem>>
    %dma_start3A_318 = tpu.memref_squeeze %dma_start3A_317 : memref<1x4704x8xf32, #tpu.memory_space<vmem>> -> memref<4704x8xf32, #tpu.memory_space<vmem>>
    tpu.enqueue_dma source(%dma_start3A_318 : memref<4704x8xf32, #tpu.memory_space<vmem>>) target(%dma_start3A_314 : memref<4704x8xf32, #tpu.memory_space<hbm>>) target_semaphore(%arg12 : memref<!tpu.dma_semaphore, #tpu.memory_space<semaphore_mem>>)
    %dma_wait3A_319 = arith.constant 1 : i32
    %dma_wait3A_320 = arith.constant 0 : i32
    %dma_wait3A_321 = tpu.memref_slice %arg5[%dma_wait3A_319, %dma_wait3A_320] : memref<2x4704xi32, #tpu.memory_space<vmem>> -> memref<1x4704xi32, #tpu.memory_space<vmem>>
    %dma_wait3A_322 = tpu.memref_squeeze %dma_wait3A_321 : memref<1x4704xi32, #tpu.memory_space<vmem>> -> memref<4704xi32, #tpu.memory_space<vmem>>
    %dma_wait3A_323 = tpu.memref_slice %arg2[%add3A_294] : memref<903168xi32, #tpu.memory_space<hbm>> -> memref<4704xi32, #tpu.memory_space<hbm>>
    %dma_wait3A_324 = arith.constant 0 : i32
    %dma_wait3A_325 = tpu.memref_slice %arg5[%dma_wait3A_319, %dma_wait3A_324] : memref<2x4704xi32, #tpu.memory_space<vmem>> -> memref<1x4704xi32, #tpu.memory_space<vmem>>
    %dma_wait3A_326 = tpu.memref_squeeze %dma_wait3A_325 : memref<1x4704xi32, #tpu.memory_space<vmem>> -> memref<4704xi32, #tpu.memory_space<vmem>>
    %dma_wait3A_327 = tpu.memref_slice %arg2[%add3A_294] : memref<903168xi32, #tpu.memory_space<hbm>> -> memref<4704xi32, #tpu.memory_space<hbm>>
    tpu.wait_dma2 semaphore(%arg8 : memref<!tpu.dma_semaphore, #tpu.memory_space<semaphore_mem>>) src(%dma_wait3A_327 : memref<4704xi32, #tpu.memory_space<hbm>>) dst(%dma_wait3A_326 : memref<4704xi32, #tpu.memory_space<vmem>>)
    %dma_wait3A_328 = arith.constant 1 : i32
    %dma_wait3A_329 = arith.constant 0 : i32
    %dma_wait3A_330 = arith.constant 0 : i32
    %dma_wait3A_331 = tpu.memref_slice %arg6[%dma_wait3A_328, %dma_wait3A_329, %dma_wait3A_330] : memref<2x4704x8xf32, #tpu.memory_space<vmem>> -> memref<1x4704x8xf32, #tpu.memory_space<vmem>>
    %dma_wait3A_332 = tpu.memref_squeeze %dma_wait3A_331 : memref<1x4704x8xf32, #tpu.memory_space<vmem>> -> memref<4704x8xf32, #tpu.memory_space<vmem>>
    %dma_wait3A_333 = arith.constant 0 : i32
    %dma_wait3A_334 = tpu.memref_slice %arg4[%add3A_305, %dma_wait3A_333] : memref<903168x8xf32, #tpu.memory_space<hbm>> -> memref<4704x8xf32, #tpu.memory_space<hbm>>
    %dma_wait3A_335 = arith.constant 0 : i32
    %dma_wait3A_336 = tpu.memref_slice %arg4[%add3A_305, %dma_wait3A_335] : memref<903168x8xf32, #tpu.memory_space<hbm>> -> memref<4704x8xf32, #tpu.memory_space<hbm>>
    %dma_wait3A_337 = arith.constant 0 : i32
    %dma_wait3A_338 = arith.constant 0 : i32
    %dma_wait3A_339 = tpu.memref_slice %arg6[%dma_wait3A_328, %dma_wait3A_337, %dma_wait3A_338] : memref<2x4704x8xf32, #tpu.memory_space<vmem>> -> memref<1x4704x8xf32, #tpu.memory_space<vmem>>
    %dma_wait3A_340 = tpu.memref_squeeze %dma_wait3A_339 : memref<1x4704x8xf32, #tpu.memory_space<vmem>> -> memref<4704x8xf32, #tpu.memory_space<vmem>>
    tpu.wait_dma2 semaphore(%arg12 : memref<!tpu.dma_semaphore, #tpu.memory_space<semaphore_mem>>) src(%dma_wait3A_340 : memref<4704x8xf32, #tpu.memory_space<vmem>>) dst(%dma_wait3A_336 : memref<4704x8xf32, #tpu.memory_space<hbm>>)
    %dma_start3A_341 = arith.constant 1 : i32
    %dma_start3A_342 = arith.constant 1 : i32
    %dma_start3A_343 = arith.constant 0 : i32
    %dma_start3A_344 = arith.constant 0 : i32
    %dma_start3A_345 = tpu.memref_slice %arg6[%dma_start3A_342, %dma_start3A_343, %dma_start3A_344] : memref<2x4704x8xf32, #tpu.memory_space<vmem>> -> memref<1x4704x8xf32, #tpu.memory_space<vmem>>
    %dma_start3A_346 = tpu.memref_squeeze %dma_start3A_345 : memref<1x4704x8xf32, #tpu.memory_space<vmem>> -> memref<4704x8xf32, #tpu.memory_space<vmem>>
    %dma_start3A_347 = arith.constant 0 : i32
    %dma_start3A_348 = tpu.memref_slice %arg5[%dma_start3A_341, %dma_start3A_347] : memref<2x4704xi32, #tpu.memory_space<vmem>> -> memref<1x4704xi32, #tpu.memory_space<vmem>>
    %dma_start3A_349 = tpu.memref_squeeze %dma_start3A_348 : memref<1x4704xi32, #tpu.memory_space<vmem>> -> memref<4704xi32, #tpu.memory_space<vmem>>
    %dma_start3A_350 = arith.constant 0 : i32
    %dma_start3A_351 = arith.constant 0 : i32
    %dma_start3A_352 = tpu.memref_slice %arg3[%dma_start3A_350, %dma_start3A_351] : memref<103936x8xf32, #tpu.memory_space<hbm>> -> memref<103936x8xf32, #tpu.memory_space<hbm>>
    tpu.enqueue_indirect_dma source(%dma_start3A_352 : memref<103936x8xf32, #tpu.memory_space<hbm>>) target(%dma_start3A_346 : memref<4704x8xf32, #tpu.memory_space<vmem>>) offsets(%dma_start3A_349 : memref<4704xi32, #tpu.memory_space<vmem>>) semaphore(%arg10 : memref<!tpu.dma_semaphore, #tpu.memory_space<semaphore_mem>>)
    %dma_wait3A_353 = arith.constant 0 : i32
    %dma_wait3A_354 = arith.constant 0 : i32
    %dma_wait3A_355 = arith.constant 0 : i32
    %dma_wait3A_356 = arith.constant 0 : i32
    %dma_wait3A_357 = tpu.memref_slice %arg6[%dma_wait3A_354, %dma_wait3A_355, %dma_wait3A_356] : memref<2x4704x8xf32, #tpu.memory_space<vmem>> -> memref<1x4704x8xf32, #tpu.memory_space<vmem>>
    %dma_wait3A_358 = tpu.memref_squeeze %dma_wait3A_357 : memref<1x4704x8xf32, #tpu.memory_space<vmem>> -> memref<4704x8xf32, #tpu.memory_space<vmem>>
    %dma_wait3A_359 = arith.constant 0 : i32
    %dma_wait3A_360 = tpu.memref_slice %arg5[%dma_wait3A_353, %dma_wait3A_359] : memref<2x4704xi32, #tpu.memory_space<vmem>> -> memref<1x4704xi32, #tpu.memory_space<vmem>>
    %dma_wait3A_361 = tpu.memref_squeeze %dma_wait3A_360 : memref<1x4704xi32, #tpu.memory_space<vmem>> -> memref<4704xi32, #tpu.memory_space<vmem>>
    %dma_wait3A_362 = arith.constant 0 : i32
    %dma_wait3A_363 = arith.constant 0 : i32
    %dma_wait3A_364 = tpu.memref_slice %arg3[%dma_wait3A_362, %dma_wait3A_363] : memref<103936x8xf32, #tpu.memory_space<hbm>> -> memref<103936x8xf32, #tpu.memory_space<hbm>>
    tpu.wait_indirect_dma semaphore(%arg9 : memref<!tpu.dma_semaphore, #tpu.memory_space<semaphore_mem>>) src(%dma_wait3A_364 : memref<103936x8xf32, #tpu.memory_space<hbm>>) dst(%dma_wait3A_358 : memref<4704x8xf32, #tpu.memory_space<vmem>>)
    %add3A_365 = arith.constant 18816 : i32
    %add3A_366 = arith.addi %mul3A_2, %add3A_365 : i32
    %dma_start3A_367 = arith.constant 0 : i32
    %dma_start3A_368 = arith.constant 0 : i32
    %dma_start3A_369 = arith.constant 0 : i32
    %dma_start3A_370 = tpu.memref_slice %arg6[%dma_start3A_367, %dma_start3A_368, %dma_start3A_369] : memref<2x4704x8xf32, #tpu.memory_space<vmem>> -> memref<1x4704x8xf32, #tpu.memory_space<vmem>>
    %dma_start3A_371 = tpu.memref_squeeze %dma_start3A_370 : memref<1x4704x8xf32, #tpu.memory_space<vmem>> -> memref<4704x8xf32, #tpu.memory_space<vmem>>
    %dma_start3A_372 = arith.constant 0 : i32
    %dma_start3A_373 = tpu.memref_slice %arg4[%add3A_366, %dma_start3A_372] : memref<903168x8xf32, #tpu.memory_space<hbm>> -> memref<4704x8xf32, #tpu.memory_space<hbm>>
    %dma_start3A_374 = arith.constant 0 : i32
    %dma_start3A_375 = tpu.memref_slice %arg4[%add3A_366, %dma_start3A_374] : memref<903168x8xf32, #tpu.memory_space<hbm>> -> memref<4704x8xf32, #tpu.memory_space<hbm>>
    %dma_start3A_376 = arith.constant 0 : i32
    %dma_start3A_377 = arith.constant 0 : i32
    %dma_start3A_378 = tpu.memref_slice %arg6[%dma_start3A_367, %dma_start3A_376, %dma_start3A_377] : memref<2x4704x8xf32, #tpu.memory_space<vmem>> -> memref<1x4704x8xf32, #tpu.memory_space<vmem>>
    %dma_start3A_379 = tpu.memref_squeeze %dma_start3A_378 : memref<1x4704x8xf32, #tpu.memory_space<vmem>> -> memref<4704x8xf32, #tpu.memory_space<vmem>>
    tpu.enqueue_dma source(%dma_start3A_379 : memref<4704x8xf32, #tpu.memory_space<vmem>>) target(%dma_start3A_375 : memref<4704x8xf32, #tpu.memory_space<hbm>>) target_semaphore(%arg11 : memref<!tpu.dma_semaphore, #tpu.memory_space<semaphore_mem>>)
    %dma_wait3A_380 = arith.constant 1 : i32
    %dma_wait3A_381 = arith.constant 1 : i32
    %dma_wait3A_382 = arith.constant 0 : i32
    %dma_wait3A_383 = arith.constant 0 : i32
    %dma_wait3A_384 = tpu.memref_slice %arg6[%dma_wait3A_381, %dma_wait3A_382, %dma_wait3A_383] : memref<2x4704x8xf32, #tpu.memory_space<vmem>> -> memref<1x4704x8xf32, #tpu.memory_space<vmem>>
    %dma_wait3A_385 = tpu.memref_squeeze %dma_wait3A_384 : memref<1x4704x8xf32, #tpu.memory_space<vmem>> -> memref<4704x8xf32, #tpu.memory_space<vmem>>
    %dma_wait3A_386 = arith.constant 0 : i32
    %dma_wait3A_387 = tpu.memref_slice %arg5[%dma_wait3A_380, %dma_wait3A_386] : memref<2x4704xi32, #tpu.memory_space<vmem>> -> memref<1x4704xi32, #tpu.memory_space<vmem>>
    %dma_wait3A_388 = tpu.memref_squeeze %dma_wait3A_387 : memref<1x4704xi32, #tpu.memory_space<vmem>> -> memref<4704xi32, #tpu.memory_space<vmem>>
    %dma_wait3A_389 = arith.constant 0 : i32
    %dma_wait3A_390 = arith.constant 0 : i32
    %dma_wait3A_391 = tpu.memref_slice %arg3[%dma_wait3A_389, %dma_wait3A_390] : memref<103936x8xf32, #tpu.memory_space<hbm>> -> memref<103936x8xf32, #tpu.memory_space<hbm>>
    tpu.wait_indirect_dma semaphore(%arg10 : memref<!tpu.dma_semaphore, #tpu.memory_space<semaphore_mem>>) src(%dma_wait3A_391 : memref<103936x8xf32, #tpu.memory_space<hbm>>) dst(%dma_wait3A_385 : memref<4704x8xf32, #tpu.memory_space<vmem>>)
    %add3A_392 = arith.constant 23520 : i32
    %add3A_393 = arith.addi %mul3A_2, %add3A_392 : i32
    %dma_start3A_394 = arith.constant 1 : i32
    %dma_start3A_395 = arith.constant 0 : i32
    %dma_start3A_396 = arith.constant 0 : i32
    %dma_start3A_397 = tpu.memref_slice %arg6[%dma_start3A_394, %dma_start3A_395, %dma_start3A_396] : memref<2x4704x8xf32, #tpu.memory_space<vmem>> -> memref<1x4704x8xf32, #tpu.memory_space<vmem>>
    %dma_start3A_398 = tpu.memref_squeeze %dma_start3A_397 : memref<1x4704x8xf32, #tpu.memory_space<vmem>> -> memref<4704x8xf32, #tpu.memory_space<vmem>>
    %dma_start3A_399 = arith.constant 0 : i32
    %dma_start3A_400 = tpu.memref_slice %arg4[%add3A_393, %dma_start3A_399] : memref<903168x8xf32, #tpu.memory_space<hbm>> -> memref<4704x8xf32, #tpu.memory_space<hbm>>
    %dma_start3A_401 = arith.constant 0 : i32
    %dma_start3A_402 = tpu.memref_slice %arg4[%add3A_393, %dma_start3A_401] : memref<903168x8xf32, #tpu.memory_space<hbm>> -> memref<4704x8xf32, #tpu.memory_space<hbm>>
    %dma_start3A_403 = arith.constant 0 : i32
    %dma_start3A_404 = arith.constant 0 : i32
    %dma_start3A_405 = tpu.memref_slice %arg6[%dma_start3A_394, %dma_start3A_403, %dma_start3A_404] : memref<2x4704x8xf32, #tpu.memory_space<vmem>> -> memref<1x4704x8xf32, #tpu.memory_space<vmem>>
    %dma_start3A_406 = tpu.memref_squeeze %dma_start3A_405 : memref<1x4704x8xf32, #tpu.memory_space<vmem>> -> memref<4704x8xf32, #tpu.memory_space<vmem>>
    tpu.enqueue_dma source(%dma_start3A_406 : memref<4704x8xf32, #tpu.memory_space<vmem>>) target(%dma_start3A_402 : memref<4704x8xf32, #tpu.memory_space<hbm>>) target_semaphore(%arg12 : memref<!tpu.dma_semaphore, #tpu.memory_space<semaphore_mem>>)
    %dma_wait3A_407 = arith.constant 0 : i32
    %dma_wait3A_408 = arith.constant 0 : i32
    %dma_wait3A_409 = arith.constant 0 : i32
    %dma_wait3A_410 = tpu.memref_slice %arg6[%dma_wait3A_407, %dma_wait3A_408, %dma_wait3A_409] : memref<2x4704x8xf32, #tpu.memory_space<vmem>> -> memref<1x4704x8xf32, #tpu.memory_space<vmem>>
    %dma_wait3A_411 = tpu.memref_squeeze %dma_wait3A_410 : memref<1x4704x8xf32, #tpu.memory_space<vmem>> -> memref<4704x8xf32, #tpu.memory_space<vmem>>
    %dma_wait3A_412 = arith.constant 0 : i32
    %dma_wait3A_413 = tpu.memref_slice %arg4[%add3A_366, %dma_wait3A_412] : memref<903168x8xf32, #tpu.memory_space<hbm>> -> memref<4704x8xf32, #tpu.memory_space<hbm>>
    %dma_wait3A_414 = arith.constant 0 : i32
    %dma_wait3A_415 = tpu.memref_slice %arg4[%add3A_366, %dma_wait3A_414] : memref<903168x8xf32, #tpu.memory_space<hbm>> -> memref<4704x8xf32, #tpu.memory_space<hbm>>
    %dma_wait3A_416 = arith.constant 0 : i32
    %dma_wait3A_417 = arith.constant 0 : i32
    %dma_wait3A_418 = tpu.memref_slice %arg6[%dma_wait3A_407, %dma_wait3A_416, %dma_wait3A_417] : memref<2x4704x8xf32, #tpu.memory_space<vmem>> -> memref<1x4704x8xf32, #tpu.memory_space<vmem>>
    %dma_wait3A_419 = tpu.memref_squeeze %dma_wait3A_418 : memref<1x4704x8xf32, #tpu.memory_space<vmem>> -> memref<4704x8xf32, #tpu.memory_space<vmem>>
    tpu.wait_dma2 semaphore(%arg11 : memref<!tpu.dma_semaphore, #tpu.memory_space<semaphore_mem>>) src(%dma_wait3A_419 : memref<4704x8xf32, #tpu.memory_space<vmem>>) dst(%dma_wait3A_415 : memref<4704x8xf32, #tpu.memory_space<hbm>>)
    %dma_wait3A_420 = arith.constant 1 : i32
    %dma_wait3A_421 = arith.constant 0 : i32
    %dma_wait3A_422 = arith.constant 0 : i32
    %dma_wait3A_423 = tpu.memref_slice %arg6[%dma_wait3A_420, %dma_wait3A_421, %dma_wait3A_422] : memref<2x4704x8xf32, #tpu.memory_space<vmem>> -> memref<1x4704x8xf32, #tpu.memory_space<vmem>>
    %dma_wait3A_424 = tpu.memref_squeeze %dma_wait3A_423 : memref<1x4704x8xf32, #tpu.memory_space<vmem>> -> memref<4704x8xf32, #tpu.memory_space<vmem>>
    %dma_wait3A_425 = arith.constant 0 : i32
    %dma_wait3A_426 = tpu.memref_slice %arg4[%add3A_393, %dma_wait3A_425] : memref<903168x8xf32, #tpu.memory_space<hbm>> -> memref<4704x8xf32, #tpu.memory_space<hbm>>
    %dma_wait3A_427 = arith.constant 0 : i32
    %dma_wait3A_428 = tpu.memref_slice %arg4[%add3A_393, %dma_wait3A_427] : memref<903168x8xf32, #tpu.memory_space<hbm>> -> memref<4704x8xf32, #tpu.memory_space<hbm>>
    %dma_wait3A_429 = arith.constant 0 : i32
    %dma_wait3A_430 = arith.constant 0 : i32
    %dma_wait3A_431 = tpu.memref_slice %arg6[%dma_wait3A_420, %dma_wait3A_429, %dma_wait3A_430] : memref<2x4704x8xf32, #tpu.memory_space<vmem>> -> memref<1x4704x8xf32, #tpu.memory_space<vmem>>
    %dma_wait3A_432 = tpu.memref_squeeze %dma_wait3A_431 : memref<1x4704x8xf32, #tpu.memory_space<vmem>> -> memref<4704x8xf32, #tpu.memory_space<vmem>>
    tpu.wait_dma2 semaphore(%arg12 : memref<!tpu.dma_semaphore, #tpu.memory_space<semaphore_mem>>) src(%dma_wait3A_432 : memref<4704x8xf32, #tpu.memory_space<vmem>>) dst(%dma_wait3A_428 : memref<4704x8xf32, #tpu.memory_space<hbm>>)
    return
  }
}

module attributes {stable_mosaic.version = 14 : i64} {
  func.func @_mask_body(%arg0: i32, %arg1: memref<8x5376xi32, #tpu.memory_space<vmem>>, %arg2: memref<8x5376xf32, #tpu.memory_space<vmem>>, %arg3: memref<8x5376xi32, #tpu.memory_space<vmem>>) attributes {dimension_semantics = [#tpu.dimension_semantics<arbitrary>], iteration_bounds = array<i64: 21>, scalar_prefetch = 0 : i64, scratch_operands = 0 : i64, tpu.core_type = #tpu.core_type<tc>, window_params = [{transform_indices = @transform_0, window_bounds = array<i64: 8, 5376>}, {transform_indices = @transform_1, window_bounds = array<i64: 8, 5376>}, {transform_indices = @transform_2, window_bounds = array<i64: 8, 5376>}]} {
    %get3A = arith.constant 0 : index
    %get3A_0 = arith.constant 0 : index
    %get3A_1 = vector.load %arg2[%get3A, %get3A_0] : memref<8x5376xf32, #tpu.memory_space<vmem>>, vector<8x5376xf32>
    %ne3A = arith.constant 0.000000e+00 : f32
    %ne3A_2 = vector.broadcast %ne3A : f32 to vector<8x5376xf32>
    %ne3A_3 = arith.cmpf one, %get3A_1, %ne3A_2 : vector<8x5376xf32>
    %get3A_4 = arith.constant 0 : index
    %get3A_5 = arith.constant 0 : index
    %get3A_6 = vector.load %arg1[%get3A_4, %get3A_5] : memref<8x5376xi32, #tpu.memory_space<vmem>>, vector<8x5376xi32>
    %jit3A = arith.constant 100352 : i32
    %broadcast_in_dim3A = vector.broadcast %jit3A : i32 to vector<8x5376xi32>
    %select_n3A = arith.select %ne3A_3, %get3A_6, %broadcast_in_dim3A : vector<8x5376xi1>, vector<8x5376xi32>
    %swap3A = arith.constant 0 : index
    %swap3A_7 = arith.constant 0 : index
    %swap3A_8 = vector.load %arg3[%swap3A, %swap3A_7] : memref<8x5376xi32, #tpu.memory_space<vmem>>, vector<8x5376xi32>
    tpu.vector_store %arg3[%swap3A, %swap3A_7], %select_n3A {strides = array<i32>} : memref<8x5376xi32, #tpu.memory_space<vmem>>, vector<8x5376xi32>,
    return
  }
  func.func @transform_0(%arg0: i32) -> (i32, i32) {
    %c0_i32 = arith.constant 0 : i32
    %c0_i32_0 = arith.constant 0 : i32
    return %c0_i32, %arg0 : i32, i32
  }
  func.func @transform_1(%arg0: i32) -> (i32, i32) {
    %c0_i32 = arith.constant 0 : i32
    %c0_i32_0 = arith.constant 0 : i32
    return %c0_i32, %arg0 : i32, i32
  }
  func.func @transform_2(%arg0: i32) -> (i32, i32) {
    %c0_i32 = arith.constant 0 : i32
    %c0_i32_0 = arith.constant 0 : i32
    return %c0_i32, %arg0 : i32, i32
  }
}

module attributes {stable_mosaic.version = 14 : i64} {
  func.func @_transpose_body(%arg0: i32, %arg1: memref<8x3584xf32, #tpu.memory_space<vmem>>, %arg2: memref<3584x8xf32, #tpu.memory_space<vmem>>) attributes {dimension_semantics = [#tpu.dimension_semantics<arbitrary>], iteration_bounds = array<i64: 29>, scalar_prefetch = 0 : i64, scratch_operands = 0 : i64, tpu.core_type = #tpu.core_type<tc>, window_params = [{transform_indices = @transform_0, window_bounds = array<i64: 8, 3584>}, {transform_indices = @transform_1, window_bounds = array<i64: 3584, 8>}]} {
    %get3A = arith.constant 0 : index
    %get3A_0 = arith.constant 0 : index
    %get3A_1 = vector.load %arg1[%get3A, %get3A_0] : memref<8x3584xf32, #tpu.memory_space<vmem>>, vector<8x3584xf32>
    %lt3A = arith.constant 28 : i32
    %lt3A_2 = arith.cmpi slt, %arg0, %lt3A : i32
    %transpose3A = tpu.transpose %get3A_1, [1, 0] : vector<8x3584xf32> -> vector<3584x8xf32>
    %jit3A = arith.constant 0.000000e+00 : f32
    %broadcast_in_dim3A = vector.broadcast %jit3A : f32 to vector<3584x8xf32>
    %select_n3A = arith.select %lt3A_2, %transpose3A, %broadcast_in_dim3A : vector<3584x8xf32>
    %swap3A = arith.constant 0 : index
    %swap3A_3 = arith.constant 0 : index
    %swap3A_4 = vector.load %arg2[%swap3A, %swap3A_3] : memref<3584x8xf32, #tpu.memory_space<vmem>>, vector<3584x8xf32>
    tpu.vector_store %arg2[%swap3A, %swap3A_3], %select_n3A {strides = array<i32>} : memref<3584x8xf32, #tpu.memory_space<vmem>>, vector<3584x8xf32>,
    return
  }
  func.func @transform_0(%arg0: i32) -> (i32, i32) {
    %min3A = arith.constant 27 : i32
    %min3A_0 = arith.minsi %arg0, %min3A : i32
    %c0_i32 = arith.constant 0 : i32
    %c0_i32_1 = arith.constant 0 : i32
    return %c0_i32, %min3A_0 : i32, i32
  }
  func.func @transform_1(%arg0: i32) -> (i32, i32) {
    %c0_i32 = arith.constant 0 : i32
    %c0_i32_0 = arith.constant 0 : i32
    return %arg0, %c0_i32 : i32, i32
  }
}

module attributes {stable_mosaic.version = 14 : i64} {
  func.func @_mm_body(%arg0: i32, %arg1: memref<3584x72xf32, #tpu.memory_space<vmem>>, %arg2: memref<1x8x72xf32, #tpu.memory_space<vmem>>, %arg3: memref<1x8x1xf32, #tpu.memory_space<vmem>>, %arg4: memref<8x3584xf32, #tpu.memory_space<vmem>>) attributes {dimension_semantics = [#tpu.dimension_semantics<arbitrary>], iteration_bounds = array<i64: 28>, scalar_prefetch = 0 : i64, scratch_operands = 0 : i64, tpu.core_type = #tpu.core_type<tc>, window_params = [{transform_indices = @transform_0, window_bounds = array<i64: 3584, 72>}, {transform_indices = @transform_1, window_bounds = array<i64: 1, 8, 72>}, {transform_indices = @transform_2, window_bounds = array<i64: 1, 8, 1>}, {transform_indices = @transform_3, window_bounds = array<i64: 8, 3584>}]} {
    %get3A = arith.constant 0 : index
    %get3A_0 = arith.constant 0 : index
    %get3A_1 = vector.load %arg1[%get3A, %get3A_0] : memref<3584x72xf32, #tpu.memory_space<vmem>>, vector<3584x72xf32>
    %get3A_2 = arith.constant 0 : index
    %get3A_3 = arith.constant 0 : index
    %get3A_4 = arith.constant 0 : index
    %get3A_5 = vector.load %arg2[%get3A_2, %get3A_3, %get3A_4] : memref<1x8x72xf32, #tpu.memory_space<vmem>>, vector<1x8x72xf32>
    %get3A_6 = vector.shape_cast %get3A_5 : vector<1x8x72xf32> to vector<8x72xf32>
    %get3A_7 = arith.constant 0 : index
    %get3A_8 = arith.constant 0 : index
    %get3A_9 = arith.constant 0 : index
    %get3A_10 = vector.load %arg3[%get3A_7, %get3A_8, %get3A_9] : memref<1x8x1xf32, #tpu.memory_space<vmem>>, vector<1x8x1xf32>
    %get3A_11 = vector.shape_cast %get3A_10 : vector<1x8x1xf32> to vector<8x1xf32>
    %dot_general3A = arith.constant dense<0.000000e+00> : vector<8x3584xf32>
    %dot_general3A_12 = tpu.matmul %get3A_6, %get3A_1, %dot_general3A {dimension_numbers = #tpu.dot_dimension_numbers<[1], [1], [0], [0], [0, 0, 1, 0], [], []>, transpose_lhs_hint = false} : vector<8x72xf32>, vector<3584x72xf32>, vector<8x3584xf32> -> vector<8x3584xf32>
    %add3A = vector.broadcast %get3A_11 : vector<8x1xf32> to vector<8x3584xf32>
    %add3A_13 = arith.addf %dot_general3A_12, %add3A : vector<8x3584xf32>
    %logistic3A = arith.negf %add3A_13 : vector<8x3584xf32>
    %logistic3A_14 = math.exp %logistic3A : vector<8x3584xf32>
    %logistic3A_15 = arith.constant 1.000000e+00 : f32
    %logistic3A_16 = vector.broadcast %logistic3A_15 : f32 to vector<8x3584xf32>
    %logistic3A_17 = arith.addf %logistic3A_16, %logistic3A_14 : vector<8x3584xf32>
    %logistic3A_18 = arith.divf %logistic3A_16, %logistic3A_17 : vector<8x3584xf32>
    %sub3A = arith.constant 5.000000e-01 : f32
    %sub3A_19 = vector.broadcast %sub3A : f32 to vector<8x3584xf32>
    %sub3A_20 = arith.subf %logistic3A_18, %sub3A_19 : vector<8x3584xf32>
    %mul3A = arith.constant 4.32790661 : f32
    %mul3A_21 = vector.broadcast %mul3A : f32 to vector<8x3584xf32>
    %mul3A_22 = arith.mulf %sub3A_20, %mul3A_21 : vector<8x3584xf32>
    %swap3A = arith.constant 0 : index
    %swap3A_23 = arith.constant 0 : index
    %swap3A_24 = vector.load %arg4[%swap3A, %swap3A_23] : memref<8x3584xf32, #tpu.memory_space<vmem>>, vector<8x3584xf32>
    tpu.vector_store %arg4[%swap3A, %swap3A_23], %mul3A_22 {strides = array<i32>} : memref<8x3584xf32, #tpu.memory_space<vmem>>, vector<8x3584xf32>,
    return
  }
  func.func @transform_0(%arg0: i32) -> (i32, i32) {
    %c0_i32 = arith.constant 0 : i32
    %c0_i32_0 = arith.constant 0 : i32
    return %arg0, %c0_i32 : i32, i32
  }
  func.func @transform_1(%arg0: i32) -> (i32, i32, i32) {
    %jit3A = arith.constant 14 : i32
    %div3A = arith.divsi %arg0, %jit3A : i32
    %sign3A = arith.constant 0 : i32
    %sign3A_0 = arith.cmpi sgt, %arg0, %sign3A : i32
    %sign3A_1 = arith.extui %sign3A_0 : i1 to i32
    %sign3A_2 = arith.constant 0 : i32
    %sign3A_3 = arith.cmpi slt, %arg0, %sign3A_2 : i32
    %sign3A_4 = arith.extui %sign3A_3 : i1 to i32
    %sign3A_5 = arith.subi %sign3A_1, %sign3A_4 : i32
    %sign3A_6 = arith.constant 0 : i32
    %sign3A_7 = arith.cmpi sgt, %jit3A, %sign3A_6 : i32
    %sign3A_8 = arith.extui %sign3A_7 : i1 to i32
    %sign3A_9 = arith.constant 0 : i32
    %sign3A_10 = arith.cmpi slt, %jit3A, %sign3A_9 : i32
    %sign3A_11 = arith.extui %sign3A_10 : i1 to i32
    %sign3A_12 = arith.subi %sign3A_8, %sign3A_11 : i32
    %ne3A = arith.cmpi ne, %sign3A_5, %sign3A_12 : i32
    %rem3A = arith.remsi %arg0, %jit3A : i32
    %ne3A_13 = arith.constant 0 : i32
    %ne3A_14 = arith.cmpi ne, %rem3A, %ne3A_13 : i32
    %and3A = arith.andi %ne3A, %ne3A_14 : i1
    %sub3A = arith.constant 1 : i32
    %sub3A_15 = arith.subi %div3A, %sub3A : i32
    %select_n3A = arith.select %and3A, %sub3A_15, %div3A : i32
    %c0_i32 = arith.constant 0 : i32
    %c0_i32_16 = arith.constant 0 : i32
    %c0_i32_17 = arith.constant 0 : i32
    return %select_n3A, %c0_i32, %c0_i32_16 : i32, i32, i32
  }
  func.func @transform_2(%arg0: i32) -> (i32, i32, i32) {
    %jit3A = arith.constant 14 : i32
    %div3A = arith.divsi %arg0, %jit3A : i32
    %sign3A = arith.constant 0 : i32
    %sign3A_0 = arith.cmpi sgt, %arg0, %sign3A : i32
    %sign3A_1 = arith.extui %sign3A_0 : i1 to i32
    %sign3A_2 = arith.constant 0 : i32
    %sign3A_3 = arith.cmpi slt, %arg0, %sign3A_2 : i32
    %sign3A_4 = arith.extui %sign3A_3 : i1 to i32
    %sign3A_5 = arith.subi %sign3A_1, %sign3A_4 : i32
    %sign3A_6 = arith.constant 0 : i32
    %sign3A_7 = arith.cmpi sgt, %jit3A, %sign3A_6 : i32
    %sign3A_8 = arith.extui %sign3A_7 : i1 to i32
    %sign3A_9 = arith.constant 0 : i32
    %sign3A_10 = arith.cmpi slt, %jit3A, %sign3A_9 : i32
    %sign3A_11 = arith.extui %sign3A_10 : i1 to i32
    %sign3A_12 = arith.subi %sign3A_8, %sign3A_11 : i32
    %ne3A = arith.cmpi ne, %sign3A_5, %sign3A_12 : i32
    %rem3A = arith.remsi %arg0, %jit3A : i32
    %ne3A_13 = arith.constant 0 : i32
    %ne3A_14 = arith.cmpi ne, %rem3A, %ne3A_13 : i32
    %and3A = arith.andi %ne3A, %ne3A_14 : i1
    %sub3A = arith.constant 1 : i32
    %sub3A_15 = arith.subi %div3A, %sub3A : i32
    %select_n3A = arith.select %and3A, %sub3A_15, %div3A : i32
    %c0_i32 = arith.constant 0 : i32
    %c0_i32_16 = arith.constant 0 : i32
    %c0_i32_17 = arith.constant 0 : i32
    return %select_n3A, %c0_i32, %c0_i32_16 : i32, i32, i32
  }
  func.func @transform_3(%arg0: i32) -> (i32, i32) {
    %c0_i32 = arith.constant 0 : i32
    %c0_i32_0 = arith.constant 0 : i32
    return %c0_i32, %arg0 : i32, i32
  }
}

</mosaic_0001>

<sc_bundles>
// kernel: kernel.6.cloned.1.call-start
scs
__scs_entry_jumppad:
0x0: {  	(pc) =	sbr.rel $0x88, $3  }
0x1: {  	(tag) =	ssettag $0x0;
	lr =	simm.s32 $0x1  }
0x2: {  	[smem:$0x3F98] =	sst lr;
	_ =	strace $0xD0000000  }
0x3: {  	_ = 	snop  }
0x4: {  	_ = 	snop  }
0x5: {  	_ = 	snop  }
0x6: {  	_ = 	snop  }
0x7: {  	_ = 	snop  }
__scs_overlays_trampoline_lowered:
0x8: {  	[smem:$0x3FA7] =	sst s0  }
0x9: {  	[smem:$0x3FA8] =	sst s1  }
0xa: {  	[smem:$0x3FA9] =	sst s2  }
0xb: {  	[smem:$0x3FAA] =	sst s3  }
0xc: {  	[smem:$0x3FAB] =	sst s4  }
0xd: {  	[smem:$0x3FAC] =	sst s5  }
0xe: {  	[smem:$0x3FAD] =	sst s6  }
0xf: {  	[smem:$0x3FAE] =	sst s7  }
0x10: {  	[smem:$0x3FAF] =	sst s8  }
0x11: {  	[smem:$0x3FB0] =	sst s9;
	s0 =	simm.s32 @!p0 $0x0  }
0x12: {  	s1 =	sld [smem:$0x3F96];
	s0 =	simm.s32 @p0 $0x1  }
0x13: {  	[smem:$0x3FB1] =	sst s0;
	s0 =	simm.s32 @!p1 $0x0  }
0x14: {  	s2 =	sld [smem:$0x3F95];
	s0 =	simm.s32 @p1 $0x1  }
0x15: {  	[smem:$0x3FB2] =	sst s0;
	s0 =	simm.s32 @!p2 $0x0  }
0x16: {  	s3 =	sld [smem:$0x3FDB];
	s0 =	simm.s32 @p2 $0x1  }
0x17: {  	s4 =	simm.s32 $0x1BF5;
	[smem:$0x3FB4] =	sst s0  }
0x18: {  	s0 =	sld [smem:$0x3F97];
	_ =	swait.ge [sflag:s4], $0x0  }
0x19: {  	s7 =	sld [smem:$0x3F98]  }
0x1a: {  	s8 =	sadd.s32 $0xFFFFE003, lr  }
0x1b: {  	s9 =	sadd.s32 $0xFFFFFEF7, lr;
	s5 =	simm.s32 $0xFFFFFFFF;
	p2 =	slt.u32 s8, $0xFFFFF086  }
0x1c: {  	p1 =	slt.u32 s9, $0xF7A;
	s5 =	simm.s32 @!p2 $0x0  }
0x1d: {  	s5 =	simm.s32 @p1 $0x1;
	p0 =	seq.s32 s7, s2  }
0x1e: {  	s7 =	smul.u32 @!p0 $0xF7A, s2;
	p2 =	seq.s32 @!p0 s5, $0x0  }
0x1f: {  	s9 =	smul.u32 $0xF7A, s1;
	s8 =	simm.s32 @!p0 $0x1BF5;
	p2 =	por !p2, p0  }
0x20: {  	[sflag:s8] =	ssyncset.s32 @!p0 $0xFFFFF086;
	s6 =	sadd.s32 @!p0 s3, s7;
	s7 =	simm.s32 @!p0 $0x108  }
0x21: {  	s3 =	sadd.s32 s3, s9;
	s6 =	sadd.s32 @!p0 $0x88, s6;
	s7 =	simm.s32 @p2 $0x1082  }
0x22: {  	[simem:s7], [sflag:s8] =	dma.local @!p0 [hbm:s6], $0xF7A  }
0x23: {  	s9 =	sor.u32 $0xD0000000, s2;
	s6 =	simm.s32 $0x108;
	_ =	swait.ge @!p0 [sflag:s8], $0x0  }
0x24: {  	s3 =	sadd.s32 $0x88, s3;
	s6 =	simm.s32 @!p1 $0x1082;
	[sflag:s4] =	ssyncset.s32 $0xFFFFF086  }
0x25: {  	[simem:s6], [sflag:s4] =	dma.local [hbm:s3], $0xF7A  }
0x26: {  	[smem:$0x3F98] =	sst s1;
	(tag) =	ssettag s2;
	_ =	strace s9  }
0x27: {  	s1 =	sld [smem:$0x3FA8]  }
0x28: {  	s2 =	sld [smem:$0x3FA9]  }
0x29: {  	s4 =	sld [smem:$0x3FAB]  }
0x2a: {  	p0 =	seq.s32 s5, $0x0;
	s5 =	sld [smem:$0x3FAC]  }
0x2b: {  	s6 =	sld [smem:$0x3FAD]  }
0x2c: {  	s7 =	sld [smem:$0x3FAE]  }
0x2d: {  	s3 =	simm.s32 $0x108;
	s8 =	sld [smem:$0x3FAF]  }
0x2e: {  	s3 =	simm.s32 @!p0 $0x1082;
	s9 =	sld [smem:$0x3FB0]  }
0x2f: {  	lr =	sadd.s32 s0, s3;
	s0 =	sld [smem:$0x3FA7]  }
0x30: {  	s3 =	sld [smem:$0x3FAA]  }
0x31: {  	[smem:$0x3FB3] =	sst s10  }
0x32: {  	s10 =	sld [smem:$0x3FB1];
	_ =	sdelay $0x3  }
0x33: {  	p0 =	seq.s32 s10, $0x1;
	s10 =	sld [smem:$0x3FB3];
	_ =	sdelay $0x3  }
0x34: {  	[smem:$0x3FB3] =	sst s10  }
0x35: {  	s10 =	sld [smem:$0x3FB2];
	_ =	sdelay $0x3  }
0x36: {  	p1 =	seq.s32 s10, $0x1;
	s10 =	sld [smem:$0x3FB3];
	_ =	sdelay $0x3  }
0x37: {  	[smem:$0x3FB3] =	sst s10  }
0x38: {  	s10 =	sld [smem:$0x3FB4]  }
0x39: {  	_ = 	snop;
	(pc) =	sbr.ind lr, $3  }
0x3a: {  	_ = 	snop  }
0x3b: {  	_ = 	snop  }
0x3c: {  	p2 =	seq.s32 s10, $0x1;
	s10 =	sld [smem:$0x3FB3]  }
0x3d: {  	_ =	shalt  }
0x3e: {  	_ =	shalt  }
0x3f: {  	_ =	shalt  }
0x40: {  	_ =	shalt  }
0x41: {  	_ =	shalt  }
0x42: {  	_ =	shalt  }
0x43: {  	_ =	shalt  }
0x44: {  	_ =	shalt  }
0x45: {  	_ =	shalt  }
0x46: {  	_ =	shalt  }
0x47: {  	_ =	shalt  }
0x48: {  	_ =	shalt  }
0x49: {  	_ =	shalt  }
0x4a: {  	_ =	shalt  }
0x4b: {  	_ =	shalt  }
0x4c: {  	_ =	shalt  }
0x4d: {  	_ =	shalt  }
0x4e: {  	_ =	shalt  }
0x4f: {  	_ =	shalt  }
0x50: {  	_ =	shalt  }
0x51: {  	_ =	shalt  }
0x52: {  	_ =	shalt  }
0x53: {  	_ =	shalt  }
0x54: {  	_ =	shalt  }
0x55: {  	_ =	shalt  }
0x56: {  	_ =	shalt  }
0x57: {  	_ =	shalt  }
0x58: {  	_ =	shalt  }
0x59: {  	_ =	shalt  }
0x5a: {  	_ =	shalt  }
0x5b: {  	_ =	shalt  }
0x5c: {  	_ =	shalt  }
0x5d: {  	_ =	shalt  }
0x5e: {  	_ =	shalt  }
0x5f: {  	_ =	shalt  }
0x60: {  	_ =	shalt  }
0x61: {  	_ =	shalt  }
0x62: {  	_ =	shalt  }
0x63: {  	_ =	shalt  }
0x64: {  	_ =	shalt  }
0x65: {  	_ =	shalt  }
0x66: {  	_ =	shalt  }
0x67: {  	_ =	shalt  }
0x68: {  	_ =	shalt  }
0x69: {  	_ =	shalt  }
0x6a: {  	_ =	shalt  }
0x6b: {  	_ =	shalt  }
0x6c: {  	_ =	shalt  }
0x6d: {  	_ =	shalt  }
0x6e: {  	_ =	shalt  }
0x6f: {  	_ =	shalt  }
0x70: {  	_ =	shalt  }
0x71: {  	_ =	shalt  }
0x72: {  	_ =	shalt  }
0x73: {  	_ =	shalt  }
0x74: {  	_ =	shalt  }
0x75: {  	_ =	shalt  }
0x76: {  	_ =	shalt  }
0x77: {  	_ =	shalt  }
0x78: {  	_ =	shalt  }
0x79: {  	_ =	shalt  }
0x7a: {  	_ =	shalt  }
0x7b: {  	_ =	shalt  }
0x7c: {  	_ =	shalt  }
0x7d: {  	_ =	shalt  }
0x7e: {  	_ =	shalt  }
0x7f: {  	_ =	shalt  }
0x80: {  	_ =	shalt  }
0x81: {  	_ =	shalt  }
0x82: {  	_ =	shalt  }
0x83: {  	_ =	shalt  }
0x84: {  	_ =	shalt  }
0x85: {  	_ =	shalt  }
0x86: {  	_ =	shalt  }
0x87: {  	_ =	shalt  }
.Lfunc_end0:
.L_simem_size_0:
called_computation_lowered:
.L_overlay_start_0:
0x88: {  	s2 =	sld [smem:$0x3FD9]  }
0x89: {  	s3 =	sld [smem:$0x3FFE];
	_ =	sdelay $0x1  }
0x8a: {  	s1 =	srdreg.scid  }
0x8b: {  	s0 =	sand.u32 $0x1, s1  }
0x8c: {  	s16 =	sshll.u32 s0, $0xA;
	s2 =	sadd.s32 s3, s2  }
0x8d: {  	s2 =	sadd.s32 s2, s16  }
0x8e: {  	[smem:$0x3FBF] =	sst s2  }
0x8f: {  	_ = 	snop  }
0x90: {  	(tm) =	ssettm $0x1  }
0x91: {  	s17 =	sld [smem:$0x3FFB];
	_ =	sdelay $0x3  }
0x92: {  	_ =	strace s17  }
0x93: {  	s2 =	sld [smem:$0x3FFC];
	_ =	sdelay $0x3  }
0x94: {  	_ =	strace s2  }
0x95: {  	s2 =	sld [smem:$0x3FFD];
	_ =	sdelay $0x3  }
0x96: {  	_ =	strace s2  }
0x97: {  	_ =	strace $0x8FFFFFFF  }
0x98: {  	s18 =	sld [smem:$0x3FDB];
	_ =	sdelay $0x1  }
0x99: {  	s19 =	simm.s32 $_scs_section_size  }
0x9a: {  	s4 =	simm.s32 $_size__tile_overlayer_lowered;
	s5 =	simm.s32 $_tile_overlayer_lowered  }
0x9b: {  	s22 =	simm.s32 $0x1BFF;
	s21 =	sshll.u32 s5, $0x1;
	s2 =	sadd.s32 s19, s18  }
0x9c: {  	s6 =	simm.s32 $0x0;
	s20 =	sshll.u32 s4, $0x1;
	s4 =	sadd.s32 s21, s2  }
0x9d: {  	[timem:s6], [sflag:s22] =	dma.local [hbm:s4], s20  }
0x9e: {  	_ =	swait.ge [sflag:s22], s20  }
0x9f: {  	s3 =	ssub.s32 $0x0, s20;
	[sflag:s22] =	ssyncset.done $0x0  }
0xa0: {  	[sflag:s22] =	ssyncadd.s32 s3;
	_ =	sdelay $0x1  }
0xa1: {  	s23 =	simm.s32 $0x1B8B  }
0xa2: {  	_ =	swait.ge [sflag:s23], $0x1  }
0xa3: {  	[sflag:s23] =	ssyncset.done $0x0  }
0xa4: {  	s25 =	simm.s32 $0x1B8E;
	s24 =	sld [smem:$0x3FFE];
	[sflag:s23] =	ssyncadd.s32 $0xFFFFFFFF  }
0xa5: {  	s26 =	simm.s32 $execute0_lowered;
	[smem:$0x3FD2] =	sst s25  }
0xa6: {  	s4 =	sshll.u32 s26, $0x1;
	_ =	strace $0x80000046;
	[dreg:$0x1] =	wrdreg $0xFFFFFFFF  }
0xa7: {  	s28 =	simm.s32 $_size_execute0_lowered;
	s2 =	sadd.s32 s2, s4;
	[dreg:$0x0] =	wrdreg $0x0  }
0xa8: {  	s4 =	sshll.u32 s28, $0x1;
	[dreg:$0x2] =	wrdreg s2  }
0xa9: {  	[dreg:$0x3] =	wrdreg s4  }
0xaa: {  	[dreg:$0x4] =	wrdreg $0xC0  }
0xab: {  	_ =	task [dreg:s6], $0x5FFFF  }
0xac: {  	[dreg:$0x1] =	wrdreg $0xFFFFFFFF  }
0xad: {  	[dreg:$0x0] =	wrdreg $0x60  }
0xae: {  	[dreg:$0x2] =	wrdreg s24  }
0xaf: {  	[dreg:$0x3] =	wrdreg $0x9  }
0xb0: {  	_ =	task.clear_ibuf [dreg:s6], $0x4FFFF;
	_ =	strace $0x90000046  }
0xb1: {  	s29 =	simm.s32 $0x9;
	_ =	strace $0x80000048  }
0xb2: {  	_ =	swait.ge [sflag:s29], $0x1  }
0xb3: {  	[sflag:s29] =	ssyncadd.s32 $0xFFFFFFFF  }
0xb4: {  	_ =	strace $0x90000048  }
0xb5: {  	_ =	sfence  }
0xb6: {  	s30 =	sld [smem:$0x0];
	_ =	sdelay $0x2  }
0xb7: {  	s31 =	sshll.u32 s1, $0xD;
	s1 =	sshrl.u32 s1, $0x2  }
0xb8: {  	s3 =	sand.u32 $0x4000, s31;
	s1 =	sadd.s32 s1, s30  }
0xb9: {  	s0 =	sor.u32 s3, s0;
	s1 =	sshll.u32 s1, $0x11  }
0xba: {  	s0 =	sor.u32 s1, s0  }
0xbb: {  	s0 =	sadd.s32 $0x8F2B, s0  }
0xbc: {  	[sflag:s0] =	ssyncadd.remote.s32 $0x1  }
0xbd: {  	_ =	sfence.sel $0xFFFF  }
0xbe: {  	[dreg:$0x0] =	wrdreg $0xFFFFFFFF;
	(pc) =	sbr.abs _section_cstart, $3  }
0xbf: {  	[dreg:$0x1] =	wrdreg $0xFFFFFFFF  }
0xc0: {  	_ =	task.clear_ibuf [dreg:s6], $0x2FFFF;
	_ =	strace $0x9FFFFFFF  }
0xc1: {  	(tm) =	ssettm $0x7FFFFFFF  }
tec
execute0_lowered:
.L_overlay_start_1:
0x0: {  	(tag) =	ssettag $0x1  }
0x1: {  	s1 =	srdreg.scid;
	s0 =	stileid.u32  }
0x2: {  	s25 =	sand.u32 $0x1, s1;
	s30 =	sshll.u32 s0, $0x1  }
0x3: {  	s12 =	rddreg [dreg:$0x0];
	s3 =	sor.u32 s25, s30  }
0x4: {  	s2 =	simm.s32 $0x0;
	s1 =	rddreg [dreg:$0x1];
	s22 =	smul.u32 $0x6E40, s3  }
0x5: {  	[smem:$0x7FF] =	sst s2  }
0x6: {  	s21 =	sadd.s32 $0x1200, s12;
	s3 =	sshrl.u32 s22, $0x3;
	s17 =	sadd.s32 $0x1260, s22  }
0x7: {  	_ =	strace $0x80000047;
	s3 =	sadd.s32 s21, s3;
	s4 =	sshrl.u32 s17, $0x3  }
0x8: {  	[tilespmem:s2], [sflag:$0x1] =	stream.linear.gather [hbm4b:s3+s2], $0x1260, $0x38;
	[tilespmem:$0x14AC0] =	vst v63  }
0x9: {  	s5 =	simm.s32 $0x1260;
	s6 =	simm.s32 $0x1;
	s4 =	sadd.s32 s21, s4  }
0xa: {  	[tilespmem:s5], [sflag:$0x2] =	stream.linear.gather [hbm4b:s4+s2], $0x1260, $0x38;
	[tilespmem:$0x14AC0] =	vst v63  }
0xb: {  	_ =	swait.ge [sflag:s6], $0x1260  }
0xc: {  	s8 =	simm.s32 $0x24C0;
	[sflag:s6] =	ssyncset.done $0x0  }
0xd: {  	s9 =	simm.s32 $0x2;
	s7 =	sadd.s32 $0x1B2C00, s12;
	[sflag:s6] =	ssyncadd.s32 $0xFFFFEDA0  }
0xe: {  	[tilespmem:s8], [sflag:$0x3] =	stream.indirect.gather [hbm4b:s7+s5], $0x8, s2, s5, $0xb8;
	[tilespmem:$0x14AC0] =	vst v63  }
0xf: {  	_ =	swait.ge [sflag:s9], $0x1260  }
0x10: {  	[sflag:s9] =	ssyncset.done $0x0  }
0x11: {  	s10 =	simm.s32 $0xB7C0;
	s11 =	simm.s32 $0x3;
	[sflag:s9] =	ssyncadd.s32 $0xFFFFEDA0  }
0x12: {  	[tilespmem:s10], [sflag:$0x4] =	stream.indirect.gather [hbm4b:s7+s5], $0x8, s5, s5, $0xb8;
	[tilespmem:$0x14AC0] =	vst v63  }
0x13: {  	s20 =	sadd.s32 $0x24C0, s22;
	_ =	swait.ge [sflag:s11], $0x9300  }
0x14: {  	s13 =	sshrl.u32 s20, $0x3;
	[sflag:s11] =	ssyncset.done $0x0  }
0x15: {  	s24 =	sadd.s32 $0x1CC00, s12;
	s12 =	sadd.s32 s21, s13;
	[sflag:s11] =	ssyncadd.s32 $0xFFFF6D00  }
0x16: {  	[tilespmem:s2], [sflag:$0x1] =	stream.linear.gather [hbm4b:s12+s2], $0x1260, $0x38;
	[tilespmem:$0x14AC0] =	vst v63  }
0x17: {  	s13 =	sadd.s32 s24, s22  }
0x18: {  	[hbm4b:s13+s2] =	stream.linear.scatter [tilespmem:s8], [sflag:$0x5], $0x9300, $0x38;
	[tilespmem:$0x14AC0] =	vst v63  }
0x19: {  	_ =	swait.ge [sflag:s6], $0x1260  }
0x1a: {  	[sflag:s6] =	ssyncset.done $0x0  }
0x1b: {  	s14 =	simm.s32 $0x5;
	[sflag:s6] =	ssyncadd.s32 $0xFFFFEDA0  }
0x1c: {  	_ =	swait.ge [sflag:s14], $0x9300  }
0x1d: {  	[sflag:s14] =	ssyncset.done $0x0  }
0x1e: {  	s15 =	simm.s32 $0x4;
	[sflag:s14] =	ssyncadd.s32 $0xFFFF6D00  }
0x1f: {  	[tilespmem:s8], [sflag:$0x3] =	stream.indirect.gather [hbm4b:s7+s5], $0x8, s2, s5, $0xb8;
	[tilespmem:$0x14AC0] =	vst v63  }
0x20: {  	s23 =	sadd.s32 $0x3720, s22;
	_ =	swait.ge [sflag:s15], $0x9300  }
0x21: {  	s16 =	sshrl.u32 s23, $0x3;
	[sflag:s15] =	ssyncset.done $0x0  }
0x22: {  	s16 =	sadd.s32 s21, s16;
	[sflag:s15] =	ssyncadd.s32 $0xFFFF6D00  }
0x23: {  	[tilespmem:s5], [sflag:$0x2] =	stream.linear.gather [hbm4b:s16+s2], $0x1260, $0x38;
	[tilespmem:$0x14AC0] =	vst v63  }
0x24: {  	s17 =	sadd.s32 s24, s17  }
0x25: {  	[hbm4b:s17+s2] =	stream.linear.scatter [tilespmem:s10], [sflag:$0x6], $0x9300, $0x38;
	[tilespmem:$0x14AC0] =	vst v63  }
0x26: {  	_ =	swait.ge [sflag:s9], $0x1260  }
0x27: {  	[sflag:s9] =	ssyncset.done $0x0  }
0x28: {  	s18 =	simm.s32 $0x6;
	[sflag:s9] =	ssyncadd.s32 $0xFFFFEDA0  }
0x29: {  	_ =	swait.ge [sflag:s18], $0x9300  }
0x2a: {  	[sflag:s18] =	ssyncset.done $0x0  }
0x2b: {  	[sflag:s18] =	ssyncadd.s32 $0xFFFF6D00  }
0x2c: {  	[tilespmem:s10], [sflag:$0x4] =	stream.indirect.gather [hbm4b:s7+s5], $0x8, s5, s5, $0xb8;
	[tilespmem:$0x14AC0] =	vst v63  }
0x2d: {  	s26 =	sadd.s32 $0x4980, s22;
	_ =	swait.ge [sflag:s11], $0x9300  }
0x2e: {  	s19 =	sshrl.u32 s26, $0x3;
	[sflag:s11] =	ssyncset.done $0x0  }
0x2f: {  	s19 =	sadd.s32 s21, s19;
	[sflag:s11] =	ssyncadd.s32 $0xFFFF6D00  }
0x30: {  	[tilespmem:s2], [sflag:$0x1] =	stream.linear.gather [hbm4b:s19+s2], $0x1260, $0x38;
	[tilespmem:$0x14AC0] =	vst v63  }
0x31: {  	s20 =	sadd.s32 s24, s20  }
0x32: {  	[hbm4b:s20+s2] =	stream.linear.scatter [tilespmem:s8], [sflag:$0x5], $0x9300, $0x38;
	[tilespmem:$0x14AC0] =	vst v63  }
0x33: {  	_ =	swait.ge [sflag:s6], $0x1260  }
0x34: {  	[sflag:s6] =	ssyncset.done $0x0  }
0x35: {  	[sflag:s6] =	ssyncadd.s32 $0xFFFFEDA0  }
0x36: {  	_ =	swait.ge [sflag:s14], $0x9300  }
0x37: {  	[sflag:s14] =	ssyncset.done $0x0  }
0x38: {  	[sflag:s14] =	ssyncadd.s32 $0xFFFF6D00  }
0x39: {  	[tilespmem:s8], [sflag:$0x3] =	stream.indirect.gather [hbm4b:s7+s5], $0x8, s2, s5, $0xb8;
	[tilespmem:$0x14AC0] =	vst v63  }
0x3a: {  	s28 =	sadd.s32 $0x5BE0, s22;
	_ =	swait.ge [sflag:s15], $0x9300  }
0x3b: {  	s22 =	sshrl.u32 s28, $0x3;
	[sflag:s15] =	ssyncset.done $0x0  }
0x3c: {  	s21 =	sadd.s32 s21, s22;
	[sflag:s15] =	ssyncadd.s32 $0xFFFF6D00  }
0x3d: {  	[tilespmem:s5], [sflag:$0x2] =	stream.linear.gather [hbm4b:s21+s2], $0x1260, $0x38;
	[tilespmem:$0x14AC0] =	vst v63  }
0x3e: {  	s22 =	sadd.s32 s24, s23  }
0x3f: {  	[hbm4b:s22+s2] =	stream.linear.scatter [tilespmem:s10], [sflag:$0x6], $0x9300, $0x38;
	[tilespmem:$0x14AC0] =	vst v63  }
0x40: {  	_ =	swait.ge [sflag:s9], $0x1260  }
0x41: {  	[sflag:s9] =	ssyncset.done $0x0  }
0x42: {  	[sflag:s9] =	ssyncadd.s32 $0xFFFFEDA0  }
0x43: {  	_ =	swait.ge [sflag:s18], $0x9300  }
0x44: {  	[sflag:s18] =	ssyncset.done $0x0  }
0x45: {  	[sflag:s18] =	ssyncadd.s32 $0xFFFF6D00  }
0x46: {  	[tilespmem:s10], [sflag:$0x4] =	stream.indirect.gather [hbm4b:s7+s5], $0x8, s5, s5, $0xb8;
	[tilespmem:$0x14AC0] =	vst v63  }
0x47: {  	_ =	swait.ge [sflag:s11], $0x9300  }
0x48: {  	s25 =	ssub.s32 $0x2, s25;
	[sflag:s11] =	ssyncset.done $0x0  }
0x49: {  	s31 =	sshrl.u32 s25, $0x1;
	s23 =	sadd.s32 s24, s26;
	[sflag:s11] =	ssyncadd.s32 $0xFFFF6D00  }
0x4a: {  	[hbm4b:s23+s2] =	stream.linear.scatter [tilespmem:s8], [sflag:$0x5], $0x9300, $0x38;
	[tilespmem:$0x14AC0] =	vst v63  }
0x4b: {  	s25 =	ssub.s32 s25, s31;
	_ =	swait.ge [sflag:s15], $0x9300  }
0x4c: {  	s25 =	smax.u32 s25, $0x1;
	[sflag:s15] =	ssyncset.done $0x0  }
0x4d: {  	p0 =	sne.s32 s25, $0x1;
	s24 =	sadd.s32 s24, s28;
	[sflag:s15] =	ssyncadd.s32 $0xFFFF6D00  }
0x4e: {  	[hbm4b:s24+s2] =	stream.linear.scatter [tilespmem:s10], [sflag:$0x6], $0x9300, $0x38;
	[tilespmem:$0x14AC0] =	vst v63  }
.Ltmp0:
0x4f: {  	_ =	swait.ge [sflag:s14], $0x9300;
	(pc) =	sbr.rel @!p0 .LBB2_2-.Ltmp0, $4  }
0x50: {  	[sflag:s14] =	ssyncset.done $0x0  }
0x51: {  	[sflag:s14] =	ssyncadd.s32 $0xFFFF6D00  }
0x52: {  	_ =	swait.ge [sflag:s18], $0x9300  }
0x53: {  	s25 =	sadd.s32 $0xFFFFFFFF, s25;
	[sflag:s18] =	ssyncset.done $0x0  }
.LBB2_1:
0x54: {  	p0 =	sne.s32 s25, $0x1;
	s25 =	sadd.s32 $0xFFFFFFFF, s25;
	[sflag:s18] =	ssyncadd.s32 $0xFFFF6D00  }
0x55: {  	[tilespmem:s2], [sflag:$0x1] =	stream.linear.gather [hbm4b:s3+s2], $0x1260, $0x38;
	[tilespmem:$0x14AC0] =	vst v63  }
0x56: {  	_ = 	snop  }
0x57: {  	[tilespmem:s5], [sflag:$0x2] =	stream.linear.gather [hbm4b:s4+s2], $0x1260, $0x38;
	[tilespmem:$0x14AC0] =	vst v63  }
0x58: {  	_ =	swait.ge [sflag:s6], $0x1260  }
0x59: {  	[sflag:s6] =	ssyncset.done $0x0  }
0x5a: {  	[sflag:s6] =	ssyncadd.s32 $0xFFFFEDA0  }
0x5b: {  	[tilespmem:s8], [sflag:$0x3] =	stream.indirect.gather [hbm4b:s7+s5], $0x8, s2, s5, $0xb8;
	[tilespmem:$0x14AC0] =	vst v63  }
0x5c: {  	_ =	swait.ge [sflag:s9], $0x1260  }
0x5d: {  	[sflag:s9] =	ssyncset.done $0x0  }
0x5e: {  	[sflag:s9] =	ssyncadd.s32 $0xFFFFEDA0  }
0x5f: {  	[tilespmem:s10], [sflag:$0x4] =	stream.indirect.gather [hbm4b:s7+s5], $0x8, s5, s5, $0xb8;
	[tilespmem:$0x14AC0] =	vst v63  }
0x60: {  	_ =	swait.ge [sflag:s11], $0x9300  }
0x61: {  	[sflag:s11] =	ssyncset.done $0x0  }
0x62: {  	[sflag:s11] =	ssyncadd.s32 $0xFFFF6D00  }
0x63: {  	[tilespmem:s2], [sflag:$0x1] =	stream.linear.gather [hbm4b:s12+s2], $0x1260, $0x38;
	[tilespmem:$0x14AC0] =	vst v63  }
0x64: {  	_ = 	snop  }
0x65: {  	[hbm4b:s13+s2] =	stream.linear.scatter [tilespmem:s8], [sflag:$0x5], $0x9300, $0x38;
	[tilespmem:$0x14AC0] =	vst v63  }
0x66: {  	_ =	swait.ge [sflag:s6], $0x1260  }
0x67: {  	[sflag:s6] =	ssyncset.done $0x0  }
0x68: {  	[sflag:s6] =	ssyncadd.s32 $0xFFFFEDA0  }
0x69: {  	_ =	swait.ge [sflag:s14], $0x9300  }
0x6a: {  	[sflag:s14] =	ssyncset.done $0x0  }
0x6b: {  	[sflag:s14] =	ssyncadd.s32 $0xFFFF6D00  }
0x6c: {  	[tilespmem:s8], [sflag:$0x3] =	stream.indirect.gather [hbm4b:s7+s5], $0x8, s2, s5, $0xb8;
	[tilespmem:$0x14AC0] =	vst v63  }
0x6d: {  	_ =	swait.ge [sflag:s15], $0x9300  }
0x6e: {  	[sflag:s15] =	ssyncset.done $0x0  }
0x6f: {  	[sflag:s15] =	ssyncadd.s32 $0xFFFF6D00  }
0x70: {  	[tilespmem:s5], [sflag:$0x2] =	stream.linear.gather [hbm4b:s16+s2], $0x1260, $0x38;
	[tilespmem:$0x14AC0] =	vst v63  }
0x71: {  	_ = 	snop  }
0x72: {  	[hbm4b:s17+s2] =	stream.linear.scatter [tilespmem:s10], [sflag:$0x6], $0x9300, $0x38;
	[tilespmem:$0x14AC0] =	vst v63  }
0x73: {  	_ =	swait.ge [sflag:s9], $0x1260  }
0x74: {  	[sflag:s9] =	ssyncset.done $0x0  }
0x75: {  	[sflag:s9] =	ssyncadd.s32 $0xFFFFEDA0  }
0x76: {  	_ =	swait.ge [sflag:s18], $0x9300  }
0x77: {  	[sflag:s18] =	ssyncset.done $0x0  }
0x78: {  	[sflag:s18] =	ssyncadd.s32 $0xFFFF6D00  }
0x79: {  	[tilespmem:s10], [sflag:$0x4] =	stream.indirect.gather [hbm4b:s7+s5], $0x8, s5, s5, $0xb8;
	[tilespmem:$0x14AC0] =	vst v63  }
0x7a: {  	_ =	swait.ge [sflag:s11], $0x9300  }
0x7b: {  	[sflag:s11] =	ssyncset.done $0x0  }
0x7c: {  	[sflag:s11] =	ssyncadd.s32 $0xFFFF6D00  }
0x7d: {  	[tilespmem:s2], [sflag:$0x1] =	stream.linear.gather [hbm4b:s19+s2], $0x1260, $0x38;
	[tilespmem:$0x14AC0] =	vst v63  }
0x7e: {  	_ = 	snop  }
0x7f: {  	[hbm4b:s20+s2] =	stream.linear.scatter [tilespmem:s8], [sflag:$0x5], $0x9300, $0x38;
	[tilespmem:$0x14AC0] =	vst v63  }
0x80: {  	_ =	swait.ge [sflag:s6], $0x1260  }
0x81: {  	[sflag:s6] =	ssyncset.done $0x0  }
0x82: {  	[sflag:s6] =	ssyncadd.s32 $0xFFFFEDA0  }
0x83: {  	_ =	swait.ge [sflag:s14], $0x9300  }
0x84: {  	[sflag:s14] =	ssyncset.done $0x0  }
0x85: {  	[sflag:s14] =	ssyncadd.s32 $0xFFFF6D00  }
0x86: {  	[tilespmem:s8], [sflag:$0x3] =	stream.indirect.gather [hbm4b:s7+s5], $0x8, s2, s5, $0xb8;
	[tilespmem:$0x14AC0] =	vst v63  }
0x87: {  	_ =	swait.ge [sflag:s15], $0x9300  }
0x88: {  	[sflag:s15] =	ssyncset.done $0x0  }
0x89: {  	[sflag:s15] =	ssyncadd.s32 $0xFFFF6D00  }
0x8a: {  	[tilespmem:s5], [sflag:$0x2] =	stream.linear.gather [hbm4b:s21+s2], $0x1260, $0x38;
	[tilespmem:$0x14AC0] =	vst v63  }
0x8b: {  	_ = 	snop  }
0x8c: {  	[hbm4b:s22+s2] =	stream.linear.scatter [tilespmem:s10], [sflag:$0x6], $0x9300, $0x38;
	[tilespmem:$0x14AC0] =	vst v63  }
0x8d: {  	_ =	swait.ge [sflag:s9], $0x1260  }
0x8e: {  	[sflag:s9] =	ssyncset.done $0x0  }
0x8f: {  	[sflag:s9] =	ssyncadd.s32 $0xFFFFEDA0  }
0x90: {  	_ =	swait.ge [sflag:s18], $0x9300  }
0x91: {  	[sflag:s18] =	ssyncset.done $0x0  }
0x92: {  	[sflag:s18] =	ssyncadd.s32 $0xFFFF6D00  }
0x93: {  	[tilespmem:s10], [sflag:$0x4] =	stream.indirect.gather [hbm4b:s7+s5], $0x8, s5, s5, $0xb8;
	[tilespmem:$0x14AC0] =	vst v63  }
0x94: {  	_ =	swait.ge [sflag:s11], $0x9300  }
0x95: {  	[sflag:s11] =	ssyncset.done $0x0  }
0x96: {  	[sflag:s11] =	ssyncadd.s32 $0xFFFF6D00  }
0x97: {  	[hbm4b:s23+s2] =	stream.linear.scatter [tilespmem:s8], [sflag:$0x5], $0x9300, $0x38;
	[tilespmem:$0x14AC0] =	vst v63  }
0x98: {  	_ =	swait.ge [sflag:s15], $0x9300  }
0x99: {  	[sflag:s15] =	ssyncset.done $0x0  }
0x9a: {  	[sflag:s15] =	ssyncadd.s32 $0xFFFF6D00  }
0x9b: {  	[hbm4b:s24+s2] =	stream.linear.scatter [tilespmem:s10], [sflag:$0x6], $0x9300, $0x38;
	[tilespmem:$0x14AC0] =	vst v63  }
.Ltmp1:
0x9c: {  	_ =	swait.ge [sflag:s14], $0x9300;
	(pc) =	sbr.rel @p0 .LBB2_1-.Ltmp1, $4  }
0x9d: {  	[sflag:s14] =	ssyncset.done $0x0  }
0x9e: {  	[sflag:s14] =	ssyncadd.s32 $0xFFFF6D00  }
0x9f: {  	_ =	swait.ge [sflag:s18], $0x9300  }
0xa0: {  	[sflag:s18] =	ssyncset.done $0x0  }
.LBB2_2:
0xa1: {  	[sflag:s18] =	ssyncadd.s32 $0xFFFF6D00  }
0xa2: {  	_ =	sfence.sel $0x180000  }
0xa3: {  	[bflag:$0x0] =	sbarrier.arrive $0xFFFF  }
0xa4: {  	p0 =	sne.s32 s0, $0x0;
	_ =	strace $0x90000047  }
0xa5: {  	s0 =	sadd.s32 @!p0 $0x100000, s1;
	[bflag:$0x2] =	sbarrier.arrive $0xFFFF  }
0xa6: {  	[sflag:s0] =	ssyncadd.tile.s32 @!p0 $0x1;
	_ =	shalt  }
.Lfunc_end2:
_tile_overlayer_lowered:
.L_overlay_start_2:
0xa7: {  	(tag) =	ssettag $0x2  }
0xa8: {  	s0 =	rddreg [dreg:$0x0];
	s2 =	stileid.u32  }
0xa9: {  	s1 =	rddreg [dreg:$0x1];
	p0 =	sne.s32 s2, $0x0  }
0xaa: {  	s3 =	rddreg [dreg:$0x2];
	[bflag:$0x3] =	sbarrier.arrive $0xFFFF;
	s2 =	simm.s32 @!p0 $0x1C07  }
0xab: {  	[timem:s3], [sflag:s2] =	dma.local @!p0 [hbm:s0], s1  }
0xac: {  	s0 =	simm.s32 @!p0 $0x7  }
0xad: {  	_ =	swait.ge @!p0 [sflag:s0], s1  }
0xae: {  	s1 =	ssub.s32 @!p0 $0x0, s1;
	[sflag:s0] =	ssyncset.done @!p0 $0x0  }
0xaf: {  	[sflag:s0] =	ssyncadd.s32 @!p0 s1  }
0xb0: {  	[bflag:$0x3] =	sbarrier.arrive $0xFFFF  }
0xb1: {  	_ =	shalt  }

</sc_bundles>
